<compile_context>
chip_gen: v7x
topology: tpu7x:2x2x1
jax: 0.10.2.dev20260603
libtpu: 0.0.44.dev20260713+nightly
codegen_flags: <defaults>
</compile_context>

<pallas_src>
import jax
import jax.numpy as jnp
from jax import lax
from jax.experimental import pallas as pl
from jax.experimental.pallas import tpu as pltpu
from jax.experimental.pallas import tpu_sc as plsc

N_MET = 10000
N_RXN = 10000
E_SUB = 320000
E_ALL = 640000
HID = 128
MSG = 128

NC = 2
NS = 16
L = 16

CHPC = 64
HCOL = 72
B1 = 128
NB1 = 158
EP1 = NS * NB1 * B1
RPAD1 = 10232
NRPAD = 10240
STRIPE = NRPAD // NS

NPAD = 10240
B3 = 800
NB3 = (E_ALL // (NC * NS)) // B3


_SC_PARAMS = pltpu.CompilerParams(needs_layout_passes=False,
                                  use_tc_tiling_on_sc=False)


def _iota16():
    return lax.iota(jnp.int32, L)



def _sc1_body(conc_h, edata_h, u_h, w_h, b1_h, out_h,
              conc_v, u_v, w_v, b1_v, ebuf0, ebuf1, rxn0, rxn1, hbuf0, hbuf1,
              dump, shared, semi0, semi1, sem0, sem1):
    cid = lax.axis_index("c")
    sid = lax.axis_index("s")
    nbbase = sid * NB1
    chan0 = cid * CHPC

    pltpu.sync_copy(conc_h, conc_v)
    pltpu.sync_copy(u_h, u_v)
    pltpu.sync_copy(w_h, w_v)
    pltpu.sync_copy(b1_h, b1_v)

    zv = jnp.zeros((L,), jnp.float32)
    zoffs = (0, 16, 32, 48, HCOL - L)

    def _zstripe(r, _):
        for co in zoffs:
            dump[r, pl.ds(co, L)] = zv
        return 0
    lax.fori_loop(0, STRIPE, _zstripe, 0)
    pltpu.sync_copy(dump, shared.at[pl.ds(sid * STRIPE, STRIPE)])

    ones = jnp.ones((L,), jnp.float32)
    ccnt = jnp.full((L,), CHPC, jnp.int32)
    for hbuf in (hbuf0, hbuf1):
        def _zrow(r, _):
            for co in zoffs:
                hbuf[r, pl.ds(co, L)] = zv
            return 0
        lax.fori_loop(0, B1, _zrow, 0)
        for g in range(B1 // L):
            plsc.store_scatter(hbuf, [g * L + _iota16(), ccnt], ones)

    plsc.subcore_barrier()

    pltpu.async_copy(edata_h.at[nbbase], ebuf0, semi0)
    pltpu.async_copy(edata_h.at[nbbase + 1], ebuf1, semi1)

    def _pair(j, _):
        for p, (ebuf, semi, hbuf, rxn_v, sem) in enumerate(
                ((ebuf0, semi0, hbuf0, rxn0, sem0),
                 (ebuf1, semi1, hbuf1, rxn1, sem1))):
            i = 2 * j + p

            pltpu.make_async_copy(edata_h.at[0], ebuf, semi).wait()
            a_g = []
            s_g = []
            for g in range(B1 // L):
                midx = ebuf[pl.ds(g * L, L)]
                a_g.append(plsc.load_gather(conc_v, [midx]))
                s_g.append(plsc.bitcast(ebuf[pl.ds(2 * B1 + g * L, L)],
                                        jnp.float32))
                rxn_v[pl.ds(g * L, L)] = ebuf[pl.ds(B1 + g * L, L)]
            pltpu.async_copy(edata_h.at[nbbase + i + 2], ebuf, semi)

            @pl.when(j >= 1)
            def _wait():
                pltpu.make_async_copy(hbuf, shared.at[rxn_v], sem).wait()

            def _chan(c, _):
                cb = jnp.full((L,), c, jnp.int32)
                uc = u_v[chan0 + c]
                wc = w_v[chan0 + c]
                bc = b1_v[chan0 + c]
                for g in range(B1 // L):
                    t2 = a_g[g] * uc + (s_g[g] * wc + bc)
                    e = jnp.exp(t2)
                    th = 1.0 - 2.0 / (e + 1.0)
                    plsc.store_scatter(hbuf, [g * L + _iota16(), cb], th)
                return 0
            lax.fori_loop(0, CHPC, _chan, 0)
            pltpu.async_copy(hbuf, shared.at[rxn_v], sem, add=True)
        return 0
    lax.fori_loop(0, NB1 // 2, _pair, 0)
    pltpu.make_async_copy(edata_h.at[0], ebuf0, semi0).wait()
    pltpu.make_async_copy(edata_h.at[0], ebuf1, semi1).wait()
    pltpu.make_async_copy(hbuf0, shared.at[rxn0], sem0).wait()
    pltpu.make_async_copy(hbuf1, shared.at[rxn1], sem1).wait()

    plsc.subcore_barrier()
    pltpu.sync_copy(shared.at[pl.ds(sid * STRIPE, STRIPE)], dump)
    pltpu.sync_copy(dump, out_h.at[cid, pl.ds(sid * STRIPE, STRIPE)])


def _sc1(conc, edata, u2b, w2b, b2b):
    mesh = plsc.VectorSubcoreMesh(core_axis_name="c", subcore_axis_name="s",
                                  num_cores=NC, num_subcores=NS)
    f = pl.kernel(
        _sc1_body,
        out_type=pltpu.HBM((NC, NRPAD, HCOL), jnp.float32),
        mesh=mesh,
        compiler_params=_SC_PARAMS,
        scratch_types=[
            pltpu.VMEM((N_MET,), jnp.float32),
            pltpu.VMEM((HID, L), jnp.float32),
            pltpu.VMEM((HID, L), jnp.float32),
            pltpu.VMEM((HID, L), jnp.float32),
            pltpu.VMEM((3 * B1,), jnp.int32),
            pltpu.VMEM((3 * B1,), jnp.int32),
            pltpu.VMEM((B1,), jnp.int32),
            pltpu.VMEM((B1,), jnp.int32),
            pltpu.VMEM((B1, HCOL), jnp.float32),
            pltpu.VMEM((B1, HCOL), jnp.float32),
            pltpu.VMEM((STRIPE, HCOL), jnp.float32),
            pltpu.VMEM_SHARED((NRPAD, HCOL), jnp.float32),
            pltpu.SemaphoreType.DMA,
            pltpu.SemaphoreType.DMA,
            pltpu.SemaphoreType.DMA,
            pltpu.SemaphoreType.DMA,
        ],
    )
    return f(conc, edata, u2b, w2b, b2b)



BR2 = 2048


def _rate_body(hext_ref, w2_ref, b2_ref, w3_ref, b3_ref, w4_ref, b4_ref, v_ref):
    h0 = hext_ref[0]
    h1 = hext_ref[1]
    cnt = h0[:, CHPC:CHPC + 1]
    w23 = jnp.dot(w2_ref[...], w3_ref[...], preferred_element_type=jnp.float32)
    b23 = jnp.dot(b2_ref[...], w3_ref[...], preferred_element_type=jnp.float32) + b3_ref[...]
    z = (jnp.dot(h0[:, :CHPC], w23[:CHPC, :], preferred_element_type=jnp.float32)
         + jnp.dot(h1[:, :CHPC], w23[CHPC:, :], preferred_element_type=jnp.float32)
         + cnt * b23)
    t = jnp.tanh(z)
    r = jnp.dot(t, w4_ref[...], preferred_element_type=jnp.float32) + b4_ref[...]
    v_ref[...] = jnp.maximum(r, 0.0) + jnp.log1p(jnp.exp(-jnp.abs(r)))


def _rates(Hext, W2, b2, W3, b3, W4, b4):
    grid = (NRPAD // BR2,)
    return pl.pallas_call(
        _rate_body,
        grid=grid,
        in_specs=[
            pl.BlockSpec((NC, BR2, HCOL), lambda i: (0, i, 0)),
            pl.BlockSpec((MSG, HID), lambda i: (0, 0)),
            pl.BlockSpec((1, MSG), lambda i: (0, 0)),
            pl.BlockSpec((MSG, HID), lambda i: (0, 0)),
            pl.BlockSpec((1, HID), lambda i: (0, 0)),
            pl.BlockSpec((HID, 1), lambda i: (0, 0)),
            pl.BlockSpec((1, 1), lambda i: (0, 0)),
        ],
        out_specs=pl.BlockSpec((BR2, 1), lambda i: (i, 0)),
        out_shape=jax.ShapeDtypeStruct((NRPAD, 1), jnp.float32),
    )(Hext, W2, b2, W3, b3, W4, b4)



def _sc3_body(v_h, edata_h, out_h, v_v, ebuf, acc):
    cid = lax.axis_index("c")
    sid = lax.axis_index("s")
    wid = cid * NS + sid
    nbbase = wid * NB3

    pltpu.sync_copy(v_h, v_v)
    zv = jnp.zeros((L,), jnp.float32)

    def _zero(jj, _):
        acc[pl.ds(jj * L, L)] = zv
        return 0
    lax.fori_loop(0, NPAD // L, _zero, 0)

    def _batch(i, _):
        pltpu.sync_copy(edata_h.at[nbbase + i], ebuf)

        def _grp(g, _):
            met = ebuf[pl.ds(g * L, L)]
            ridx = ebuf[pl.ds(B3 + g * L, L)]
            sto = plsc.bitcast(ebuf[pl.ds(2 * B3 + g * L, L)], jnp.float32)
            vv = plsc.load_gather(v_v, [ridx])
            plsc.addupdate_scatter(acc, [met], vv * sto)
            return 0
        lax.fori_loop(0, B3 // L, _grp, 0)
        return 0
    lax.fori_loop(0, NB3, _batch, 0)
    pltpu.sync_copy(acc, out_h.at[wid])


def _sc3(v, edata3):
    mesh = plsc.VectorSubcoreMesh(core_axis_name="c", subcore_axis_name="s",
                                  num_cores=NC, num_subcores=NS)
    f = pl.kernel(
        _sc3_body,
        out_type=pltpu.HBM((NC * NS, NPAD), jnp.float32),
        mesh=mesh,
        compiler_params=_SC_PARAMS,
        scratch_types=[
            pltpu.VMEM((N_RXN,), jnp.float32),
            pltpu.VMEM((3 * B3,), jnp.int32),
            pltpu.VMEM((NPAD,), jnp.float32),
        ],
    )
    return f(v, edata3)



def _red_body(p_ref, o_ref):
    o_ref[...] = jnp.sum(p_ref[...], axis=0, keepdims=True)


def _reduce_parts(part):
    return pl.pallas_call(
        _red_body,
        grid=(1,),
        in_specs=[pl.BlockSpec((NC * NS, NPAD), lambda i: (0, 0))],
        out_specs=pl.BlockSpec((1, NPAD), lambda i: (0, 0)),
        out_shape=jax.ShapeDtypeStruct((1, NPAD), jnp.float32),
    )(part)



def kernel(x, met_sub, rxn_sub, sto_sub, met_all, rxn_all, sto_all,
           W1, b1, W2, b2, W3, b3, W4, b4):
    conc = x[:, 3]
    met_sub = met_sub.astype(jnp.int32)
    rxn_sub = rxn_sub.astype(jnp.int32)
    met_all = met_all.astype(jnp.int32)
    rxn_all = rxn_all.astype(jnp.int32)
    u2b = jnp.broadcast_to((2.0 * W1[0])[:, None], (HID, L))
    w2b = jnp.broadcast_to((2.0 * W1[1])[:, None], (HID, L))
    b2b = jnp.broadcast_to((2.0 * b1)[:, None], (HID, L))
    npad1 = EP1 + 2 * B1 - E_SUB
    met_p = jnp.concatenate([met_sub, jnp.zeros((npad1,), jnp.int32)])
    rxn_p = jnp.concatenate([rxn_sub, jnp.full((npad1,), RPAD1, jnp.int32)])
    sto_p = jnp.concatenate([sto_sub, jnp.zeros((npad1,), jnp.float32)])
    sto_bits = lax.bitcast_convert_type(sto_p, jnp.int32)
    edata = jnp.concatenate([met_p.reshape(-1, B1), rxn_p.reshape(-1, B1),
                             sto_bits.reshape(-1, B1)], axis=1)
    Hext = _sc1(conc, edata, u2b, w2b, b2b)
    v2d = _rates(Hext, W2, b2[None, :], W3, b3[None, :], W4, b4[None, :])
    stoa_bits = lax.bitcast_convert_type(sto_all, jnp.int32)
    edata3 = jnp.concatenate([met_all.reshape(-1, B3), rxn_all.reshape(-1, B3),
                              stoa_bits.reshape(-1, B3)], axis=1)
    part = _sc3(v2d[:N_RXN, 0], edata3)
    tot = _reduce_parts(part)
    return tot[0, :N_MET][:, None]

# --- scband reference (transcript-rebuilt; emitter-appended) ---
"""Pipeline reference for scband-pde-m1-62989990363136 (READ-ONLY COPY).

The authoritative reference and input builder live on the scoring server;
editing this copy changes nothing except your own understanding.
"""

import jax, jax.numpy as jnp
import numpy as np

N_MET = 10000
N_RXN = 10000
E_SUB = 320000
E_ALL = 640000
HID = 128
MSG = 128


def setup_inputs(seed: int = 0) -> dict:
    key = jax.random.key(seed)
    ks = [jax.random.fold_in(key, i) for i in range(16)]
    x = jax.random.uniform(ks[0], (N_MET, 8), dtype=jnp.float32)
    met_sub = jax.random.randint(ks[1], (E_SUB,), 0, N_MET, dtype=jnp.int64) if jax.config.jax_enable_x64 else jax.random.randint(ks[1], (E_SUB,), 0, N_MET, dtype=jnp.int32)
    rxn_sub = jax.random.randint(ks[2], (E_SUB,), 0, N_RXN, dtype=jnp.int32)
    sto_sub = jax.random.uniform(ks[3], (E_SUB,), dtype=jnp.float32)
    met_all = jax.random.randint(ks[4], (E_ALL,), 0, N_MET, dtype=jnp.int32)
    rxn_all = jax.random.randint(ks[5], (E_ALL,), 0, N_RXN, dtype=jnp.int32)
    sto_all = jax.random.normal(ks[6], (E_ALL,), dtype=jnp.float32)
    # msg_mlp: Linear(2, HID) -> Tanh -> Linear(HID, MSG)
    W1 = jax.random.normal(ks[7], (2, HID), dtype=jnp.float32) / np.sqrt(2.0)
    b1 = jnp.zeros((HID,), dtype=jnp.float32)
    W2 = jax.random.normal(ks[8], (HID, MSG), dtype=jnp.float32) / np.sqrt(HID)
    b2 = jnp.zeros((MSG,), dtype=jnp.float32)
    # rate_mlp: Linear(MSG, HID) -> Tanh -> Linear(HID, 1)
    W3 = jax.random.normal(ks[9], (MSG, HID), dtype=jnp.float32) / np.sqrt(MSG)
    b3 = jnp.zeros((HID,), dtype=jnp.float32)
    W4 = jax.random.normal(ks[10], (HID, 1), dtype=jnp.float32) / np.sqrt(HID)
    b4 = jnp.zeros((1,), dtype=jnp.float32)
    return {"x": x, "met_sub": met_sub, "rxn_sub": rxn_sub, "sto_sub": sto_sub,
            "met_all": met_all, "rxn_all": rxn_all, "sto_all": sto_all,
            "W1": W1, "b1": b1, "W2": W2, "b2": b2, "W3": W3, "b3": b3, "W4": W4, "b4": b4}


def reference(x, met_sub, rxn_sub, sto_sub, met_all, rxn_all, sto_all,
              W1, b1, W2, b2, W3, b3, W4, b4):
    concentrations = x[:, 3]
    x_src = concentrations[met_sub][:, None]           # gather [E_sub, 1]
    s_abs = sto_sub[:, None]                            # [E_sub, 1]
    msg_in = jnp.concatenate([x_src, s_abs], axis=-1)   # [E_sub, 2]
    h = jnp.tanh(msg_in @ W1 + b1)
    msg = h @ W2 + b2                                    # [E_sub, MSG]
    h_rxn = jax.ops.segment_sum(msg, rxn_sub, num_segments=N_RXN)  # scatter-add
    r = jnp.tanh(h_rxn @ W3 + b3) @ W4 + b4             # [N_RXN, 1]
    v = jax.nn.softplus(r[:, 0])                         # non-negative rates
    contrib = sto_all * v[rxn_all]                       # gather [E_all]
    dxdt = jax.ops.segment_sum(contrib, met_all, num_segments=N_MET)
    return dxdt[:, None]

if __name__ == "__main__":
    import jax
    _d = setup_inputs()
    print(jax.jit(kernel)(*tuple(_d.values())))

</pallas_src>

<mosaic_0001>
#map = affine_map<(d0, d1) -> (0)>
#map1 = affine_map<(d0, d1) -> (0, 0)>
module attributes {stable_mosaic.version = 14 : i64} {
  func.func @_sc3_body(%arg0: i32, %arg1: i32, %arg2: memref<10000xf32, #tpu.memory_space<hbm>>, %arg3: memref<800x2400xi32, #tpu.memory_space<hbm>>, %arg4: memref<32x10240xf32, #tpu.memory_space<hbm>>, %arg5: memref<10000xf32, #tpu.memory_space<vmem>>, %arg6: memref<2400xi32, #tpu.memory_space<vmem>>, %arg7: memref<10240xf32, #tpu.memory_space<vmem>>) attributes {dimension_semantics = [#tpu.dimension_semantics<core_parallel>, #tpu.dimension_semantics<subcore_parallel>], iteration_bounds = array<i64: 2, 16>, scalar_prefetch = 0 : i64, scratch_operands = 3 : i64, tpu.core_type = #tpu.core_type<sc_vector_subcore>, window_params = [{transform_indices = #map}, {transform_indices = #map1}, {transform_indices = #map1}]} {
    %mul3A = arith.constant 16 : i32
    %mul3A_0 = arith.muli %arg0, %mul3A : i32
    %add3A = arith.addi %mul3A_0, %arg1 : i32
    %mul3A_1 = arith.constant 25 : i32
    %mul3A_2 = arith.muli %add3A, %mul3A_1 : i32
    "tpu.region"() ({
      %run_scoped3A = tpu.sem_alloc : memref<!tpu.dma_semaphore, #tpu.memory_space<semaphore_mem>>
      tpu.enqueue_dma source(%arg2 : memref<10000xf32, #tpu.memory_space<hbm>>) target(%arg5 : memref<10000xf32, #tpu.memory_space<vmem>>) target_semaphore(%run_scoped3A : memref<!tpu.dma_semaphore, #tpu.memory_space<semaphore_mem>>)
      tpu.wait_dma2 semaphore(%run_scoped3A : memref<!tpu.dma_semaphore, #tpu.memory_space<semaphore_mem>>) src(%arg2 : memref<10000xf32, #tpu.memory_space<hbm>>) dst(%arg5 : memref<10000xf32, #tpu.memory_space<vmem>>)
      tpu.yield
    }) : () -> ()
    %broadcast_in_dim3A = arith.constant 0.000000e+00 : f32
    %broadcast_in_dim3A_3 = vector.broadcast %broadcast_in_dim3A : f32 to vector<16xf32>
    %scan3A = arith.constant 0 : i32
    %scan3A_4 = arith.constant 0 : i32
    %scan3A_5 = arith.constant 640 : i32
    %scan3A_6 = arith.addi %scan3A_4, %scan3A_5 : i32
    %scan3A_7 = arith.constant 1 : i32
    %scan3A_8 = scf.for %scan3A_17 = %scan3A_4 to %scan3A_6 step %scan3A_7 iter_args(%scan3A_18 = %scan3A) -> (i32)  : i32 {
      %mul3A_19 = arith.constant 16 : i32
      %mul3A_20 = arith.muli %scan3A_17, %mul3A_19 : i32
      %swap3A = arith.index_cast %mul3A_20 : i32 to index
      %swap3A_21 = tpu.vector_load %arg7[%swap3A] {strides = array<i32>} : memref<10240xf32, #tpu.memory_space<vmem>>, vector<16xf32>,
      tpu.vector_store %arg7[%swap3A], %broadcast_in_dim3A_3 {strides = array<i32>} : memref<10240xf32, #tpu.memory_space<vmem>>, vector<16xf32>,
      %scan3A_22 = arith.constant 0 : i32
      scf.yield %scan3A_22 : i32
    }
    %scan3A_9 = arith.constant 640 : i32
    %scan3A_10 = arith.constant 0 : i32
    %scan3A_11 = arith.constant 0 : i32
    %scan3A_12 = arith.constant 25 : i32
    %scan3A_13 = arith.addi %scan3A_11, %scan3A_12 : i32
    %scan3A_14 = arith.constant 1 : i32
    %scan3A_15 = scf.for %scan3A_17 = %scan3A_11 to %scan3A_13 step %scan3A_14 iter_args(%scan3A_18 = %scan3A_10) -> (i32)  : i32 {
      %add3A_19 = arith.addi %mul3A_2, %scan3A_17 : i32
      "tpu.region"() ({
        %run_scoped3A = tpu.sem_alloc : memref<!tpu.dma_semaphore, #tpu.memory_space<semaphore_mem>>
        %dma_start3A = arith.constant 0 : i32
        %dma_start3A_28 = tpu.memref_slice %arg3[%add3A_19, %dma_start3A] : memref<800x2400xi32, #tpu.memory_space<hbm>> -> memref<1x2400xi32, #tpu.memory_space<hbm>>
        %dma_start3A_29 = tpu.memref_squeeze %dma_start3A_28 : memref<1x2400xi32, #tpu.memory_space<hbm>> -> memref<2400xi32, #tpu.memory_space<hbm>>
        %dma_start3A_30 = arith.constant 0 : i32
        %dma_start3A_31 = tpu.memref_slice %arg3[%add3A_19, %dma_start3A_30] : memref<800x2400xi32, #tpu.memory_space<hbm>> -> memref<1x2400xi32, #tpu.memory_space<hbm>>
        %dma_start3A_32 = tpu.memref_squeeze %dma_start3A_31 : memref<1x2400xi32, #tpu.memory_space<hbm>> -> memref<2400xi32, #tpu.memory_space<hbm>>
        tpu.enqueue_dma source(%dma_start3A_32 : memref<2400xi32, #tpu.memory_space<hbm>>) target(%arg6 : memref<2400xi32, #tpu.memory_space<vmem>>) target_semaphore(%run_scoped3A : memref<!tpu.dma_semaphore, #tpu.memory_space<semaphore_mem>>)
        %dma_wait3A = arith.constant 0 : i32
        %dma_wait3A_33 = tpu.memref_slice %arg3[%add3A_19, %dma_wait3A] : memref<800x2400xi32, #tpu.memory_space<hbm>> -> memref<1x2400xi32, #tpu.memory_space<hbm>>
        %dma_wait3A_34 = tpu.memref_squeeze %dma_wait3A_33 : memref<1x2400xi32, #tpu.memory_space<hbm>> -> memref<2400xi32, #tpu.memory_space<hbm>>
        %dma_wait3A_35 = arith.constant 0 : i32
        %dma_wait3A_36 = tpu.memref_slice %arg3[%add3A_19, %dma_wait3A_35] : memref<800x2400xi32, #tpu.memory_space<hbm>> -> memref<1x2400xi32, #tpu.memory_space<hbm>>
        %dma_wait3A_37 = tpu.memref_squeeze %dma_wait3A_36 : memref<1x2400xi32, #tpu.memory_space<hbm>> -> memref<2400xi32, #tpu.memory_space<hbm>>
        tpu.wait_dma2 semaphore(%run_scoped3A : memref<!tpu.dma_semaphore, #tpu.memory_space<semaphore_mem>>) src(%dma_wait3A_37 : memref<2400xi32, #tpu.memory_space<hbm>>) dst(%arg6 : memref<2400xi32, #tpu.memory_space<vmem>>)
        tpu.yield
      }) : () -> ()
      %scan3A_20 = arith.constant 0 : i32
      %scan3A_21 = arith.constant 0 : i32
      %scan3A_22 = arith.constant 50 : i32
      %scan3A_23 = arith.addi %scan3A_21, %scan3A_22 : i32
      %scan3A_24 = arith.constant 1 : i32
      %scan3A_25 = scf.for %scan3A_28 = %scan3A_21 to %scan3A_23 step %scan3A_24 iter_args(%scan3A_29 = %scan3A_20) -> (i32)  : i32 {
        %mul3A_30 = arith.constant 16 : i32
        %mul3A_31 = arith.muli %scan3A_28, %mul3A_30 : i32
        %get3A = arith.index_cast %mul3A_31 : i32 to index
        %get3A_32 = tpu.vector_load %arg6[%get3A] {strides = array<i32>} : memref<2400xi32, #tpu.memory_space<vmem>>, vector<16xi32>,
        %mul3A_33 = arith.constant 16 : i32
        %mul3A_34 = arith.muli %scan3A_28, %mul3A_33 : i32
        %add3A_35 = arith.constant 800 : i32
        %add3A_36 = arith.addi %add3A_35, %mul3A_34 : i32
        %get3A_37 = arith.index_cast %add3A_36 : i32 to index
        %get3A_38 = tpu.vector_load %arg6[%get3A_37] {strides = array<i32>} : memref<2400xi32, #tpu.memory_space<vmem>>, vector<16xi32>,
        %mul3A_39 = arith.constant 16 : i32
        %mul3A_40 = arith.muli %scan3A_28, %mul3A_39 : i32
        %add3A_41 = arith.constant 1600 : i32
        %add3A_42 = arith.addi %add3A_41, %mul3A_40 : i32
        %get3A_43 = arith.index_cast %add3A_42 : i32 to index
        %get3A_44 = tpu.vector_load %arg6[%get3A_43] {strides = array<i32>} : memref<2400xi32, #tpu.memory_space<vmem>>, vector<16xi32>,
        %bitcast3A = vector.bitcast %get3A_44 : vector<16xi32> to vector<16xf32>
        %gather3A = tpu.vector_load_idx %arg5[%get3A_38] : memref<10000xf32, #tpu.memory_space<vmem>>[vector<16xi32>], vector<16xf32>,
        %mul3A_45 = arith.mulf %gather3A, %bitcast3A : vector<16xf32>
        tpu.vector_store_idx %arg7[%get3A_32], %mul3A_45 {add = true} : memref<10240xf32, #tpu.memory_space<vmem>>[vector<16xi32>], vector<16xf32>,
        %scan3A_46 = arith.constant 0 : i32
        scf.yield %scan3A_46 : i32
      }
      %scan3A_26 = arith.constant 50 : i32
      %scan3A_27 = arith.constant 0 : i32
      scf.yield %scan3A_27 : i32
    }
    %scan3A_16 = arith.constant 25 : i32
    "tpu.region"() ({
      %run_scoped3A = tpu.sem_alloc : memref<!tpu.dma_semaphore, #tpu.memory_space<semaphore_mem>>
      %dma_start3A = arith.constant 0 : i32
      %dma_start3A_17 = tpu.memref_slice %arg4[%add3A, %dma_start3A] : memref<32x10240xf32, #tpu.memory_space<hbm>> -> memref<1x10240xf32, #tpu.memory_space<hbm>>
      %dma_start3A_18 = tpu.memref_squeeze %dma_start3A_17 : memref<1x10240xf32, #tpu.memory_space<hbm>> -> memref<10240xf32, #tpu.memory_space<hbm>>
      %dma_start3A_19 = arith.constant 0 : i32
      %dma_start3A_20 = tpu.memref_slice %arg4[%add3A, %dma_start3A_19] : memref<32x10240xf32, #tpu.memory_space<hbm>> -> memref<1x10240xf32, #tpu.memory_space<hbm>>
      %dma_start3A_21 = tpu.memref_squeeze %dma_start3A_20 : memref<1x10240xf32, #tpu.memory_space<hbm>> -> memref<10240xf32, #tpu.memory_space<hbm>>
      tpu.enqueue_dma source(%arg7 : memref<10240xf32, #tpu.memory_space<vmem>>) target(%dma_start3A_21 : memref<10240xf32, #tpu.memory_space<hbm>>) target_semaphore(%run_scoped3A : memref<!tpu.dma_semaphore, #tpu.memory_space<semaphore_mem>>)
      %dma_wait3A = arith.constant 0 : i32
      %dma_wait3A_22 = tpu.memref_slice %arg4[%add3A, %dma_wait3A] : memref<32x10240xf32, #tpu.memory_space<hbm>> -> memref<1x10240xf32, #tpu.memory_space<hbm>>
      %dma_wait3A_23 = tpu.memref_squeeze %dma_wait3A_22 : memref<1x10240xf32, #tpu.memory_space<hbm>> -> memref<10240xf32, #tpu.memory_space<hbm>>
      %dma_wait3A_24 = arith.constant 0 : i32
      %dma_wait3A_25 = tpu.memref_slice %arg4[%add3A, %dma_wait3A_24] : memref<32x10240xf32, #tpu.memory_space<hbm>> -> memref<1x10240xf32, #tpu.memory_space<hbm>>
      %dma_wait3A_26 = tpu.memref_squeeze %dma_wait3A_25 : memref<1x10240xf32, #tpu.memory_space<hbm>> -> memref<10240xf32, #tpu.memory_space<hbm>>
      tpu.wait_dma2 semaphore(%run_scoped3A : memref<!tpu.dma_semaphore, #tpu.memory_space<semaphore_mem>>) src(%arg7 : memref<10240xf32, #tpu.memory_space<vmem>>) dst(%dma_wait3A_26 : memref<10240xf32, #tpu.memory_space<hbm>>)
      tpu.yield
    }) : () -> ()
    return
  }
}

#map = affine_map<(d0, d1) -> (0)>
#map1 = affine_map<(d0, d1) -> (0, 0)>
#map2 = affine_map<(d0, d1) -> (0, 0, 0)>
module attributes {stable_mosaic.version = 14 : i64} {
  func.func @_sc1_body(%arg0: i32, %arg1: i32, %arg2: memref<10000xf32, #tpu.memory_space<hbm>>, %arg3: memref<2530x384xi32, #tpu.memory_space<hbm>>, %arg4: memref<128x16xf32, #tpu.memory_space<hbm>>, %arg5: memref<128x16xf32, #tpu.memory_space<hbm>>, %arg6: memref<128x16xf32, #tpu.memory_space<hbm>>, %arg7: memref<2x10240x72xf32, #tpu.memory_space<hbm>>, %arg8: memref<10000xf32, #tpu.memory_space<vmem>>, %arg9: memref<128x16xf32, #tpu.memory_space<vmem>>, %arg10: memref<128x16xf32, #tpu.memory_space<vmem>>, %arg11: memref<128x16xf32, #tpu.memory_space<vmem>>, %arg12: memref<384xi32, #tpu.memory_space<vmem>>, %arg13: memref<384xi32, #tpu.memory_space<vmem>>, %arg14: memref<128xi32, #tpu.memory_space<vmem>>, %arg15: memref<128xi32, #tpu.memory_space<vmem>>, %arg16: memref<128x72xf32, #tpu.memory_space<vmem>>, %arg17: memref<128x72xf32, #tpu.memory_space<vmem>>, %arg18: memref<640x72xf32, #tpu.memory_space<vmem>>, %arg19: memref<10240x72xf32, #tpu.memory_space<vmem_shared>>, %arg20: memref<!tpu.dma_semaphore, #tpu.memory_space<semaphore_mem>>, %arg21: memref<!tpu.dma_semaphore, #tpu.memory_space<semaphore_mem>>, %arg22: memref<!tpu.dma_semaphore, #tpu.memory_space<semaphore_mem>>, %arg23: memref<!tpu.dma_semaphore, #tpu.memory_space<semaphore_mem>>) attributes {dimension_semantics = [#tpu.dimension_semantics<core_parallel>, #tpu.dimension_semantics<subcore_parallel>], iteration_bounds = array<i64: 2, 16>, scalar_prefetch = 0 : i64, scratch_operands = 16 : i64, tpu.core_type = #tpu.core_type<sc_vector_subcore>, window_params = [{transform_indices = #map}, {transform_indices = #map1}, {transform_indices = #map1}, {transform_indices = #map1}, {transform_indices = #map1}, {transform_indices = #map2}]} {
    %mul3A = arith.constant 158 : i32
    %mul3A_0 = arith.muli %arg1, %mul3A : i32
    %mul3A_1 = arith.constant 64 : i32
    %mul3A_2 = arith.muli %arg0, %mul3A_1 : i32
    "tpu.region"() ({
      %run_scoped3A = tpu.sem_alloc : memref<!tpu.dma_semaphore, #tpu.memory_space<semaphore_mem>>
      tpu.enqueue_dma source(%arg2 : memref<10000xf32, #tpu.memory_space<hbm>>) target(%arg8 : memref<10000xf32, #tpu.memory_space<vmem>>) target_semaphore(%run_scoped3A : memref<!tpu.dma_semaphore, #tpu.memory_space<semaphore_mem>>)
      tpu.wait_dma2 semaphore(%run_scoped3A : memref<!tpu.dma_semaphore, #tpu.memory_space<semaphore_mem>>) src(%arg2 : memref<10000xf32, #tpu.memory_space<hbm>>) dst(%arg8 : memref<10000xf32, #tpu.memory_space<vmem>>)
      tpu.yield
    }) : () -> ()
    "tpu.region"() ({
      %run_scoped3A = tpu.sem_alloc : memref<!tpu.dma_semaphore, #tpu.memory_space<semaphore_mem>>
      tpu.enqueue_dma source(%arg4 : memref<128x16xf32, #tpu.memory_space<hbm>>) target(%arg9 : memref<128x16xf32, #tpu.memory_space<vmem>>) target_semaphore(%run_scoped3A : memref<!tpu.dma_semaphore, #tpu.memory_space<semaphore_mem>>)
      tpu.wait_dma2 semaphore(%run_scoped3A : memref<!tpu.dma_semaphore, #tpu.memory_space<semaphore_mem>>) src(%arg4 : memref<128x16xf32, #tpu.memory_space<hbm>>) dst(%arg9 : memref<128x16xf32, #tpu.memory_space<vmem>>)
      tpu.yield
    }) : () -> ()
    "tpu.region"() ({
      %run_scoped3A = tpu.sem_alloc : memref<!tpu.dma_semaphore, #tpu.memory_space<semaphore_mem>>
      tpu.enqueue_dma source(%arg5 : memref<128x16xf32, #tpu.memory_space<hbm>>) target(%arg10 : memref<128x16xf32, #tpu.memory_space<vmem>>) target_semaphore(%run_scoped3A : memref<!tpu.dma_semaphore, #tpu.memory_space<semaphore_mem>>)
      tpu.wait_dma2 semaphore(%run_scoped3A : memref<!tpu.dma_semaphore, #tpu.memory_space<semaphore_mem>>) src(%arg5 : memref<128x16xf32, #tpu.memory_space<hbm>>) dst(%arg10 : memref<128x16xf32, #tpu.memory_space<vmem>>)
      tpu.yield
    }) : () -> ()
    "tpu.region"() ({
      %run_scoped3A = tpu.sem_alloc : memref<!tpu.dma_semaphore, #tpu.memory_space<semaphore_mem>>
      tpu.enqueue_dma source(%arg6 : memref<128x16xf32, #tpu.memory_space<hbm>>) target(%arg11 : memref<128x16xf32, #tpu.memory_space<vmem>>) target_semaphore(%run_scoped3A : memref<!tpu.dma_semaphore, #tpu.memory_space<semaphore_mem>>)
      tpu.wait_dma2 semaphore(%run_scoped3A : memref<!tpu.dma_semaphore, #tpu.memory_space<semaphore_mem>>) src(%arg6 : memref<128x16xf32, #tpu.memory_space<hbm>>) dst(%arg11 : memref<128x16xf32, #tpu.memory_space<vmem>>)
      tpu.yield
    }) : () -> ()
    %broadcast_in_dim3A = arith.constant 0.000000e+00 : f32
    %broadcast_in_dim3A_3 = vector.broadcast %broadcast_in_dim3A : f32 to vector<16xf32>
    %scan3A = arith.constant 0 : i32
    %scan3A_4 = arith.constant 0 : i32
    %scan3A_5 = arith.constant 640 : i32
    %scan3A_6 = arith.addi %scan3A_4, %scan3A_5 : i32
    %scan3A_7 = arith.constant 1 : i32
    %scan3A_8 = scf.for %scan3A_136 = %scan3A_4 to %scan3A_6 step %scan3A_7 iter_args(%scan3A_137 = %scan3A) -> (i32)  : i32 {
      %swap3A = arith.index_cast %scan3A_136 : i32 to index
      %swap3A_138 = arith.constant 0 : index
      %swap3A_139 = tpu.vector_load %arg18[%swap3A, %swap3A_138] {strides = array<i32>} : memref<640x72xf32, #tpu.memory_space<vmem>>, vector<16xf32>,
      tpu.vector_store %arg18[%swap3A, %swap3A_138], %broadcast_in_dim3A_3 {strides = array<i32>} : memref<640x72xf32, #tpu.memory_space<vmem>>, vector<16xf32>,
      %swap3A_140 = arith.index_cast %scan3A_136 : i32 to index
      %swap3A_141 = arith.constant 16 : index
      %swap3A_142 = tpu.vector_load %arg18[%swap3A_140, %swap3A_141] {strides = array<i32>} : memref<640x72xf32, #tpu.memory_space<vmem>>, vector<16xf32>,
      tpu.vector_store %arg18[%swap3A_140, %swap3A_141], %broadcast_in_dim3A_3 {strides = array<i32>} : memref<640x72xf32, #tpu.memory_space<vmem>>, vector<16xf32>,
      %swap3A_143 = arith.index_cast %scan3A_136 : i32 to index
      %swap3A_144 = arith.constant 32 : index
      %swap3A_145 = tpu.vector_load %arg18[%swap3A_143, %swap3A_144] {strides = array<i32>} : memref<640x72xf32, #tpu.memory_space<vmem>>, vector<16xf32>,
      tpu.vector_store %arg18[%swap3A_143, %swap3A_144], %broadcast_in_dim3A_3 {strides = array<i32>} : memref<640x72xf32, #tpu.memory_space<vmem>>, vector<16xf32>,
      %swap3A_146 = arith.index_cast %scan3A_136 : i32 to index
      %swap3A_147 = arith.constant 48 : index
      %swap3A_148 = tpu.vector_load %arg18[%swap3A_146, %swap3A_147] {strides = array<i32>} : memref<640x72xf32, #tpu.memory_space<vmem>>, vector<16xf32>,
      tpu.vector_store %arg18[%swap3A_146, %swap3A_147], %broadcast_in_dim3A_3 {strides = array<i32>} : memref<640x72xf32, #tpu.memory_space<vmem>>, vector<16xf32>,
      %swap3A_149 = arith.index_cast %scan3A_136 : i32 to index
      %swap3A_150 = arith.constant 56 : index
      %swap3A_151 = tpu.vector_load %arg18[%swap3A_149, %swap3A_150] {strides = array<i32>} : memref<640x72xf32, #tpu.memory_space<vmem>>, vector<16xf32>,
      tpu.vector_store %arg18[%swap3A_149, %swap3A_150], %broadcast_in_dim3A_3 {strides = array<i32>} : memref<640x72xf32, #tpu.memory_space<vmem>>, vector<16xf32>,
      %scan3A_152 = arith.constant 0 : i32
      scf.yield %scan3A_152 : i32
    }
    %scan3A_9 = arith.constant 640 : i32
    %mul3A_10 = arith.constant 640 : i32
    %mul3A_11 = arith.muli %arg1, %mul3A_10 : i32
    "tpu.region"() ({
      %run_scoped3A = tpu.sem_alloc : memref<!tpu.dma_semaphore, #tpu.memory_space<semaphore_mem>>
      %dma_start3A_136 = arith.constant 0 : i32
      %dma_start3A_137 = tpu.memref_slice %arg19[%mul3A_11, %dma_start3A_136] : memref<10240x72xf32, #tpu.memory_space<vmem_shared>> -> memref<640x72xf32, #tpu.memory_space<vmem_shared>>
      %dma_start3A_138 = arith.constant 0 : i32
      %dma_start3A_139 = tpu.memref_slice %arg19[%mul3A_11, %dma_start3A_138] : memref<10240x72xf32, #tpu.memory_space<vmem_shared>> -> memref<640x72xf32, #tpu.memory_space<vmem_shared>>
      tpu.enqueue_dma source(%arg18 : memref<640x72xf32, #tpu.memory_space<vmem>>) target(%dma_start3A_139 : memref<640x72xf32, #tpu.memory_space<vmem_shared>>) target_semaphore(%run_scoped3A : memref<!tpu.dma_semaphore, #tpu.memory_space<semaphore_mem>>)
      %dma_wait3A_140 = arith.constant 0 : i32
      %dma_wait3A_141 = tpu.memref_slice %arg19[%mul3A_11, %dma_wait3A_140] : memref<10240x72xf32, #tpu.memory_space<vmem_shared>> -> memref<640x72xf32, #tpu.memory_space<vmem_shared>>
      %dma_wait3A_142 = arith.constant 0 : i32
      %dma_wait3A_143 = tpu.memref_slice %arg19[%mul3A_11, %dma_wait3A_142] : memref<10240x72xf32, #tpu.memory_space<vmem_shared>> -> memref<640x72xf32, #tpu.memory_space<vmem_shared>>
      tpu.wait_dma2 semaphore(%run_scoped3A : memref<!tpu.dma_semaphore, #tpu.memory_space<semaphore_mem>>) src(%arg18 : memref<640x72xf32, #tpu.memory_space<vmem>>) dst(%dma_wait3A_143 : memref<640x72xf32, #tpu.memory_space<vmem_shared>>)
      tpu.yield
    }) : () -> ()
    %broadcast_in_dim3A_12 = arith.constant 1.000000e+00 : f32
    %broadcast_in_dim3A_13 = vector.broadcast %broadcast_in_dim3A_12 : f32 to vector<16xf32>
    %broadcast_in_dim3A_14 = arith.constant 64 : i32
    %broadcast_in_dim3A_15 = vector.broadcast %broadcast_in_dim3A_14 : i32 to vector<16xi32>
    %scan3A_16 = arith.constant 0 : i32
    %scan3A_17 = arith.constant 0 : i32
    %scan3A_18 = arith.constant 128 : i32
    %scan3A_19 = arith.addi %scan3A_17, %scan3A_18 : i32
    %scan3A_20 = arith.constant 1 : i32
    %scan3A_21 = scf.for %scan3A_136 = %scan3A_17 to %scan3A_19 step %scan3A_20 iter_args(%scan3A_137 = %scan3A_16) -> (i32)  : i32 {
      %swap3A = arith.index_cast %scan3A_136 : i32 to index
      %swap3A_138 = arith.constant 0 : index
      %swap3A_139 = tpu.vector_load %arg16[%swap3A, %swap3A_138] {strides = array<i32>} : memref<128x72xf32, #tpu.memory_space<vmem>>, vector<16xf32>,
      tpu.vector_store %arg16[%swap3A, %swap3A_138], %broadcast_in_dim3A_3 {strides = array<i32>} : memref<128x72xf32, #tpu.memory_space<vmem>>, vector<16xf32>,
      %swap3A_140 = arith.index_cast %scan3A_136 : i32 to index
      %swap3A_141 = arith.constant 16 : index
      %swap3A_142 = tpu.vector_load %arg16[%swap3A_140, %swap3A_141] {strides = array<i32>} : memref<128x72xf32, #tpu.memory_space<vmem>>, vector<16xf32>,
      tpu.vector_store %arg16[%swap3A_140, %swap3A_141], %broadcast_in_dim3A_3 {strides = array<i32>} : memref<128x72xf32, #tpu.memory_space<vmem>>, vector<16xf32>,
      %swap3A_143 = arith.index_cast %scan3A_136 : i32 to index
      %swap3A_144 = arith.constant 32 : index
      %swap3A_145 = tpu.vector_load %arg16[%swap3A_143, %swap3A_144] {strides = array<i32>} : memref<128x72xf32, #tpu.memory_space<vmem>>, vector<16xf32>,
      tpu.vector_store %arg16[%swap3A_143, %swap3A_144], %broadcast_in_dim3A_3 {strides = array<i32>} : memref<128x72xf32, #tpu.memory_space<vmem>>, vector<16xf32>,
      %swap3A_146 = arith.index_cast %scan3A_136 : i32 to index
      %swap3A_147 = arith.constant 48 : index
      %swap3A_148 = tpu.vector_load %arg16[%swap3A_146, %swap3A_147] {strides = array<i32>} : memref<128x72xf32, #tpu.memory_space<vmem>>, vector<16xf32>,
      tpu.vector_store %arg16[%swap3A_146, %swap3A_147], %broadcast_in_dim3A_3 {strides = array<i32>} : memref<128x72xf32, #tpu.memory_space<vmem>>, vector<16xf32>,
      %swap3A_149 = arith.index_cast %scan3A_136 : i32 to index
      %swap3A_150 = arith.constant 56 : index
      %swap3A_151 = tpu.vector_load %arg16[%swap3A_149, %swap3A_150] {strides = array<i32>} : memref<128x72xf32, #tpu.memory_space<vmem>>, vector<16xf32>,
      tpu.vector_store %arg16[%swap3A_149, %swap3A_150], %broadcast_in_dim3A_3 {strides = array<i32>} : memref<128x72xf32, #tpu.memory_space<vmem>>, vector<16xf32>,
      %scan3A_152 = arith.constant 0 : i32
      scf.yield %scan3A_152 : i32
    }
    %scan3A_22 = arith.constant 128 : i32
    %iota3A = tpu.iota {dimensions = array<i32: 0>} : vector<16xi32>
    %add3A = arith.constant 0 : i32
    %add3A_23 = vector.broadcast %add3A : i32 to vector<16xi32>
    %add3A_24 = arith.addi %add3A_23, %iota3A : vector<16xi32>
    tpu.vector_store_idx %arg16[%add3A_24, %broadcast_in_dim3A_15], %broadcast_in_dim3A_13 : memref<128x72xf32, #tpu.memory_space<vmem>>[vector<16xi32>, vector<16xi32>], vector<16xf32>,
    %iota3A_25 = tpu.iota {dimensions = array<i32: 0>} : vector<16xi32>
    %add3A_26 = arith.constant 16 : i32
    %add3A_27 = vector.broadcast %add3A_26 : i32 to vector<16xi32>
    %add3A_28 = arith.addi %add3A_27, %iota3A_25 : vector<16xi32>
    tpu.vector_store_idx %arg16[%add3A_28, %broadcast_in_dim3A_15], %broadcast_in_dim3A_13 : memref<128x72xf32, #tpu.memory_space<vmem>>[vector<16xi32>, vector<16xi32>], vector<16xf32>,
    %iota3A_29 = tpu.iota {dimensions = array<i32: 0>} : vector<16xi32>
    %add3A_30 = arith.constant 32 : i32
    %add3A_31 = vector.broadcast %add3A_30 : i32 to vector<16xi32>
    %add3A_32 = arith.addi %add3A_31, %iota3A_29 : vector<16xi32>
    tpu.vector_store_idx %arg16[%add3A_32, %broadcast_in_dim3A_15], %broadcast_in_dim3A_13 : memref<128x72xf32, #tpu.memory_space<vmem>>[vector<16xi32>, vector<16xi32>], vector<16xf32>,
    %iota3A_33 = tpu.iota {dimensions = array<i32: 0>} : vector<16xi32>
    %add3A_34 = arith.constant 48 : i32
    %add3A_35 = vector.broadcast %add3A_34 : i32 to vector<16xi32>
    %add3A_36 = arith.addi %add3A_35, %iota3A_33 : vector<16xi32>
    tpu.vector_store_idx %arg16[%add3A_36, %broadcast_in_dim3A_15], %broadcast_in_dim3A_13 : memref<128x72xf32, #tpu.memory_space<vmem>>[vector<16xi32>, vector<16xi32>], vector<16xf32>,
    %iota3A_37 = tpu.iota {dimensions = array<i32: 0>} : vector<16xi32>
    %add3A_38 = arith.constant 64 : i32
    %add3A_39 = vector.broadcast %add3A_38 : i32 to vector<16xi32>
    %add3A_40 = arith.addi %add3A_39, %iota3A_37 : vector<16xi32>
    tpu.vector_store_idx %arg16[%add3A_40, %broadcast_in_dim3A_15], %broadcast_in_dim3A_13 : memref<128x72xf32, #tpu.memory_space<vmem>>[vector<16xi32>, vector<16xi32>], vector<16xf32>,
    %iota3A_41 = tpu.iota {dimensions = array<i32: 0>} : vector<16xi32>
    %add3A_42 = arith.constant 80 : i32
    %add3A_43 = vector.broadcast %add3A_42 : i32 to vector<16xi32>
    %add3A_44 = arith.addi %add3A_43, %iota3A_41 : vector<16xi32>
    tpu.vector_store_idx %arg16[%add3A_44, %broadcast_in_dim3A_15], %broadcast_in_dim3A_13 : memref<128x72xf32, #tpu.memory_space<vmem>>[vector<16xi32>, vector<16xi32>], vector<16xf32>,
    %iota3A_45 = tpu.iota {dimensions = array<i32: 0>} : vector<16xi32>
    %add3A_46 = arith.constant 96 : i32
    %add3A_47 = vector.broadcast %add3A_46 : i32 to vector<16xi32>
    %add3A_48 = arith.addi %add3A_47, %iota3A_45 : vector<16xi32>
    tpu.vector_store_idx %arg16[%add3A_48, %broadcast_in_dim3A_15], %broadcast_in_dim3A_13 : memref<128x72xf32, #tpu.memory_space<vmem>>[vector<16xi32>, vector<16xi32>], vector<16xf32>,
    %iota3A_49 = tpu.iota {dimensions = array<i32: 0>} : vector<16xi32>
    %add3A_50 = arith.constant 112 : i32
    %add3A_51 = vector.broadcast %add3A_50 : i32 to vector<16xi32>
    %add3A_52 = arith.addi %add3A_51, %iota3A_49 : vector<16xi32>
    tpu.vector_store_idx %arg16[%add3A_52, %broadcast_in_dim3A_15], %broadcast_in_dim3A_13 : memref<128x72xf32, #tpu.memory_space<vmem>>[vector<16xi32>, vector<16xi32>], vector<16xf32>,
    %scan3A_53 = arith.constant 0 : i32
    %scan3A_54 = arith.constant 0 : i32
    %scan3A_55 = arith.constant 128 : i32
    %scan3A_56 = arith.addi %scan3A_54, %scan3A_55 : i32
    %scan3A_57 = arith.constant 1 : i32
    %scan3A_58 = scf.for %scan3A_136 = %scan3A_54 to %scan3A_56 step %scan3A_57 iter_args(%scan3A_137 = %scan3A_53) -> (i32)  : i32 {
      %swap3A = arith.index_cast %scan3A_136 : i32 to index
      %swap3A_138 = arith.constant 0 : index
      %swap3A_139 = tpu.vector_load %arg17[%swap3A, %swap3A_138] {strides = array<i32>} : memref<128x72xf32, #tpu.memory_space<vmem>>, vector<16xf32>,
      tpu.vector_store %arg17[%swap3A, %swap3A_138], %broadcast_in_dim3A_3 {strides = array<i32>} : memref<128x72xf32, #tpu.memory_space<vmem>>, vector<16xf32>,
      %swap3A_140 = arith.index_cast %scan3A_136 : i32 to index
      %swap3A_141 = arith.constant 16 : index
      %swap3A_142 = tpu.vector_load %arg17[%swap3A_140, %swap3A_141] {strides = array<i32>} : memref<128x72xf32, #tpu.memory_space<vmem>>, vector<16xf32>,
      tpu.vector_store %arg17[%swap3A_140, %swap3A_141], %broadcast_in_dim3A_3 {strides = array<i32>} : memref<128x72xf32, #tpu.memory_space<vmem>>, vector<16xf32>,
      %swap3A_143 = arith.index_cast %scan3A_136 : i32 to index
      %swap3A_144 = arith.constant 32 : index
      %swap3A_145 = tpu.vector_load %arg17[%swap3A_143, %swap3A_144] {strides = array<i32>} : memref<128x72xf32, #tpu.memory_space<vmem>>, vector<16xf32>,
      tpu.vector_store %arg17[%swap3A_143, %swap3A_144], %broadcast_in_dim3A_3 {strides = array<i32>} : memref<128x72xf32, #tpu.memory_space<vmem>>, vector<16xf32>,
      %swap3A_146 = arith.index_cast %scan3A_136 : i32 to index
      %swap3A_147 = arith.constant 48 : index
      %swap3A_148 = tpu.vector_load %arg17[%swap3A_146, %swap3A_147] {strides = array<i32>} : memref<128x72xf32, #tpu.memory_space<vmem>>, vector<16xf32>,
      tpu.vector_store %arg17[%swap3A_146, %swap3A_147], %broadcast_in_dim3A_3 {strides = array<i32>} : memref<128x72xf32, #tpu.memory_space<vmem>>, vector<16xf32>,
      %swap3A_149 = arith.index_cast %scan3A_136 : i32 to index
      %swap3A_150 = arith.constant 56 : index
      %swap3A_151 = tpu.vector_load %arg17[%swap3A_149, %swap3A_150] {strides = array<i32>} : memref<128x72xf32, #tpu.memory_space<vmem>>, vector<16xf32>,
      tpu.vector_store %arg17[%swap3A_149, %swap3A_150], %broadcast_in_dim3A_3 {strides = array<i32>} : memref<128x72xf32, #tpu.memory_space<vmem>>, vector<16xf32>,
      %scan3A_152 = arith.constant 0 : i32
      scf.yield %scan3A_152 : i32
    }
    %scan3A_59 = arith.constant 128 : i32
    %iota3A_60 = tpu.iota {dimensions = array<i32: 0>} : vector<16xi32>
    %add3A_61 = arith.constant 0 : i32
    %add3A_62 = vector.broadcast %add3A_61 : i32 to vector<16xi32>
    %add3A_63 = arith.addi %add3A_62, %iota3A_60 : vector<16xi32>
    tpu.vector_store_idx %arg17[%add3A_63, %broadcast_in_dim3A_15], %broadcast_in_dim3A_13 : memref<128x72xf32, #tpu.memory_space<vmem>>[vector<16xi32>, vector<16xi32>], vector<16xf32>,
    %iota3A_64 = tpu.iota {dimensions = array<i32: 0>} : vector<16xi32>
    %add3A_65 = arith.constant 16 : i32
    %add3A_66 = vector.broadcast %add3A_65 : i32 to vector<16xi32>
    %add3A_67 = arith.addi %add3A_66, %iota3A_64 : vector<16xi32>
    tpu.vector_store_idx %arg17[%add3A_67, %broadcast_in_dim3A_15], %broadcast_in_dim3A_13 : memref<128x72xf32, #tpu.memory_space<vmem>>[vector<16xi32>, vector<16xi32>], vector<16xf32>,
    %iota3A_68 = tpu.iota {dimensions = array<i32: 0>} : vector<16xi32>
    %add3A_69 = arith.constant 32 : i32
    %add3A_70 = vector.broadcast %add3A_69 : i32 to vector<16xi32>
    %add3A_71 = arith.addi %add3A_70, %iota3A_68 : vector<16xi32>
    tpu.vector_store_idx %arg17[%add3A_71, %broadcast_in_dim3A_15], %broadcast_in_dim3A_13 : memref<128x72xf32, #tpu.memory_space<vmem>>[vector<16xi32>, vector<16xi32>], vector<16xf32>,
    %iota3A_72 = tpu.iota {dimensions = array<i32: 0>} : vector<16xi32>
    %add3A_73 = arith.constant 48 : i32
    %add3A_74 = vector.broadcast %add3A_73 : i32 to vector<16xi32>
    %add3A_75 = arith.addi %add3A_74, %iota3A_72 : vector<16xi32>
    tpu.vector_store_idx %arg17[%add3A_75, %broadcast_in_dim3A_15], %broadcast_in_dim3A_13 : memref<128x72xf32, #tpu.memory_space<vmem>>[vector<16xi32>, vector<16xi32>], vector<16xf32>,
    %iota3A_76 = tpu.iota {dimensions = array<i32: 0>} : vector<16xi32>
    %add3A_77 = arith.constant 64 : i32
    %add3A_78 = vector.broadcast %add3A_77 : i32 to vector<16xi32>
    %add3A_79 = arith.addi %add3A_78, %iota3A_76 : vector<16xi32>
    tpu.vector_store_idx %arg17[%add3A_79, %broadcast_in_dim3A_15], %broadcast_in_dim3A_13 : memref<128x72xf32, #tpu.memory_space<vmem>>[vector<16xi32>, vector<16xi32>], vector<16xf32>,
    %iota3A_80 = tpu.iota {dimensions = array<i32: 0>} : vector<16xi32>
    %add3A_81 = arith.constant 80 : i32
    %add3A_82 = vector.broadcast %add3A_81 : i32 to vector<16xi32>
    %add3A_83 = arith.addi %add3A_82, %iota3A_80 : vector<16xi32>
    tpu.vector_store_idx %arg17[%add3A_83, %broadcast_in_dim3A_15], %broadcast_in_dim3A_13 : memref<128x72xf32, #tpu.memory_space<vmem>>[vector<16xi32>, vector<16xi32>], vector<16xf32>,
    %iota3A_84 = tpu.iota {dimensions = array<i32: 0>} : vector<16xi32>
    %add3A_85 = arith.constant 96 : i32
    %add3A_86 = vector.broadcast %add3A_85 : i32 to vector<16xi32>
    %add3A_87 = arith.addi %add3A_86, %iota3A_84 : vector<16xi32>
    tpu.vector_store_idx %arg17[%add3A_87, %broadcast_in_dim3A_15], %broadcast_in_dim3A_13 : memref<128x72xf32, #tpu.memory_space<vmem>>[vector<16xi32>, vector<16xi32>], vector<16xf32>,
    %iota3A_88 = tpu.iota {dimensions = array<i32: 0>} : vector<16xi32>
    %add3A_89 = arith.constant 112 : i32
    %add3A_90 = vector.broadcast %add3A_89 : i32 to vector<16xi32>
    %add3A_91 = arith.addi %add3A_90, %iota3A_88 : vector<16xi32>
    tpu.vector_store_idx %arg17[%add3A_91, %broadcast_in_dim3A_15], %broadcast_in_dim3A_13 : memref<128x72xf32, #tpu.memory_space<vmem>>[vector<16xi32>, vector<16xi32>], vector<16xf32>,
    %barrier3A = arith.constant 0 : index
    tpu.barrier barrier_id(%barrier3A)
    %dma_start3A = arith.constant 0 : i32
    %dma_start3A_92 = tpu.memref_slice %arg3[%mul3A_0, %dma_start3A] : memref<2530x384xi32, #tpu.memory_space<hbm>> -> memref<1x384xi32, #tpu.memory_space<hbm>>
    %dma_start3A_93 = tpu.memref_squeeze %dma_start3A_92 : memref<1x384xi32, #tpu.memory_space<hbm>> -> memref<384xi32, #tpu.memory_space<hbm>>
    %dma_start3A_94 = arith.constant 0 : i32
    %dma_start3A_95 = tpu.memref_slice %arg3[%mul3A_0, %dma_start3A_94] : memref<2530x384xi32, #tpu.memory_space<hbm>> -> memref<1x384xi32, #tpu.memory_space<hbm>>
    %dma_start3A_96 = tpu.memref_squeeze %dma_start3A_95 : memref<1x384xi32, #tpu.memory_space<hbm>> -> memref<384xi32, #tpu.memory_space<hbm>>
    tpu.enqueue_dma source(%dma_start3A_96 : memref<384xi32, #tpu.memory_space<hbm>>) target(%arg12 : memref<384xi32, #tpu.memory_space<vmem>>) target_semaphore(%arg20 : memref<!tpu.dma_semaphore, #tpu.memory_space<semaphore_mem>>)
    %add3A_97 = arith.constant 1 : i32
    %add3A_98 = arith.addi %mul3A_0, %add3A_97 : i32
    %dma_start3A_99 = arith.constant 0 : i32
    %dma_start3A_100 = tpu.memref_slice %arg3[%add3A_98, %dma_start3A_99] : memref<2530x384xi32, #tpu.memory_space<hbm>> -> memref<1x384xi32, #tpu.memory_space<hbm>>
    %dma_start3A_101 = tpu.memref_squeeze %dma_start3A_100 : memref<1x384xi32, #tpu.memory_space<hbm>> -> memref<384xi32, #tpu.memory_space<hbm>>
    %dma_start3A_102 = arith.constant 0 : i32
    %dma_start3A_103 = tpu.memref_slice %arg3[%add3A_98, %dma_start3A_102] : memref<2530x384xi32, #tpu.memory_space<hbm>> -> memref<1x384xi32, #tpu.memory_space<hbm>>
    %dma_start3A_104 = tpu.memref_squeeze %dma_start3A_103 : memref<1x384xi32, #tpu.memory_space<hbm>> -> memref<384xi32, #tpu.memory_space<hbm>>
    tpu.enqueue_dma source(%dma_start3A_104 : memref<384xi32, #tpu.memory_space<hbm>>) target(%arg13 : memref<384xi32, #tpu.memory_space<vmem>>) target_semaphore(%arg21 : memref<!tpu.dma_semaphore, #tpu.memory_space<semaphore_mem>>)
    %scan3A_105 = arith.constant 0 : i32
    %scan3A_106 = arith.constant 0 : i32
    %scan3A_107 = arith.constant 79 : i32
    %scan3A_108 = arith.addi %scan3A_106, %scan3A_107 : i32
    %scan3A_109 = arith.constant 1 : i32
    %scan3A_110 = scf.for %scan3A_136 = %scan3A_106 to %scan3A_108 step %scan3A_109 iter_args(%scan3A_137 = %scan3A_105) -> (i32)  : i32 {
      %mul3A_138 = arith.constant 2 : i32
      %mul3A_139 = arith.muli %mul3A_138, %scan3A_136 : i32
      %add3A_140 = arith.constant 0 : i32
      %add3A_141 = arith.addi %mul3A_139, %add3A_140 : i32
      %dma_wait3A_142 = arith.constant 0 : i32
      %dma_wait3A_143 = arith.constant 0 : i32
      %dma_wait3A_144 = tpu.memref_slice %arg3[%dma_wait3A_142, %dma_wait3A_143] : memref<2530x384xi32, #tpu.memory_space<hbm>> -> memref<1x384xi32, #tpu.memory_space<hbm>>
      %dma_wait3A_145 = tpu.memref_squeeze %dma_wait3A_144 : memref<1x384xi32, #tpu.memory_space<hbm>> -> memref<384xi32, #tpu.memory_space<hbm>>
      %dma_wait3A_146 = arith.constant 0 : i32
      %dma_wait3A_147 = tpu.memref_slice %arg3[%dma_wait3A_142, %dma_wait3A_146] : memref<2530x384xi32, #tpu.memory_space<hbm>> -> memref<1x384xi32, #tpu.memory_space<hbm>>
      %dma_wait3A_148 = tpu.memref_squeeze %dma_wait3A_147 : memref<1x384xi32, #tpu.memory_space<hbm>> -> memref<384xi32, #tpu.memory_space<hbm>>
      tpu.wait_dma2 semaphore(%arg20 : memref<!tpu.dma_semaphore, #tpu.memory_space<semaphore_mem>>) src(%dma_wait3A_148 : memref<384xi32, #tpu.memory_space<hbm>>) dst(%arg12 : memref<384xi32, #tpu.memory_space<vmem>>)
      %get3A = arith.constant 0 : index
      %get3A_149 = tpu.vector_load %arg12[%get3A] {strides = array<i32>} : memref<384xi32, #tpu.memory_space<vmem>>, vector<16xi32>,
      %gather3A = tpu.vector_load_idx %arg8[%get3A_149] : memref<10000xf32, #tpu.memory_space<vmem>>[vector<16xi32>], vector<16xf32>,
      %get3A_150 = arith.constant 256 : index
      %get3A_151 = tpu.vector_load %arg12[%get3A_150] {strides = array<i32>} : memref<384xi32, #tpu.memory_space<vmem>>, vector<16xi32>,
      %bitcast3A = vector.bitcast %get3A_151 : vector<16xi32> to vector<16xf32>
      %get3A_152 = arith.constant 128 : index
      %get3A_153 = tpu.vector_load %arg12[%get3A_152] {strides = array<i32>} : memref<384xi32, #tpu.memory_space<vmem>>, vector<16xi32>,
      %swap3A = arith.constant 0 : index
      %swap3A_154 = tpu.vector_load %arg14[%swap3A] {strides = array<i32>} : memref<128xi32, #tpu.memory_space<vmem>>, vector<16xi32>,
      tpu.vector_store %arg14[%swap3A], %get3A_153 {strides = array<i32>} : memref<128xi32, #tpu.memory_space<vmem>>, vector<16xi32>,
      %get3A_155 = arith.constant 16 : index
      %get3A_156 = tpu.vector_load %arg12[%get3A_155] {strides = array<i32>} : memref<384xi32, #tpu.memory_space<vmem>>, vector<16xi32>,
      %gather3A_157 = tpu.vector_load_idx %arg8[%get3A_156] : memref<10000xf32, #tpu.memory_space<vmem>>[vector<16xi32>], vector<16xf32>,
      %get3A_158 = arith.constant 272 : index
      %get3A_159 = tpu.vector_load %arg12[%get3A_158] {strides = array<i32>} : memref<384xi32, #tpu.memory_space<vmem>>, vector<16xi32>,
      %bitcast3A_160 = vector.bitcast %get3A_159 : vector<16xi32> to vector<16xf32>
      %get3A_161 = arith.constant 144 : index
      %get3A_162 = tpu.vector_load %arg12[%get3A_161] {strides = array<i32>} : memref<384xi32, #tpu.memory_space<vmem>>, vector<16xi32>,
      %swap3A_163 = arith.constant 16 : index
      %swap3A_164 = tpu.vector_load %arg14[%swap3A_163] {strides = array<i32>} : memref<128xi32, #tpu.memory_space<vmem>>, vector<16xi32>,
      tpu.vector_store %arg14[%swap3A_163], %get3A_162 {strides = array<i32>} : memref<128xi32, #tpu.memory_space<vmem>>, vector<16xi32>,
      %get3A_165 = arith.constant 32 : index
      %get3A_166 = tpu.vector_load %arg12[%get3A_165] {strides = array<i32>} : memref<384xi32, #tpu.memory_space<vmem>>, vector<16xi32>,
      %gather3A_167 = tpu.vector_load_idx %arg8[%get3A_166] : memref<10000xf32, #tpu.memory_space<vmem>>[vector<16xi32>], vector<16xf32>,
      %get3A_168 = arith.constant 288 : index
      %get3A_169 = tpu.vector_load %arg12[%get3A_168] {strides = array<i32>} : memref<384xi32, #tpu.memory_space<vmem>>, vector<16xi32>,
      %bitcast3A_170 = vector.bitcast %get3A_169 : vector<16xi32> to vector<16xf32>
      %get3A_171 = arith.constant 160 : index
      %get3A_172 = tpu.vector_load %arg12[%get3A_171] {strides = array<i32>} : memref<384xi32, #tpu.memory_space<vmem>>, vector<16xi32>,
      %swap3A_173 = arith.constant 32 : index
      %swap3A_174 = tpu.vector_load %arg14[%swap3A_173] {strides = array<i32>} : memref<128xi32, #tpu.memory_space<vmem>>, vector<16xi32>,
      tpu.vector_store %arg14[%swap3A_173], %get3A_172 {strides = array<i32>} : memref<128xi32, #tpu.memory_space<vmem>>, vector<16xi32>,
      %get3A_175 = arith.constant 48 : index
      %get3A_176 = tpu.vector_load %arg12[%get3A_175] {strides = array<i32>} : memref<384xi32, #tpu.memory_space<vmem>>, vector<16xi32>,
      %gather3A_177 = tpu.vector_load_idx %arg8[%get3A_176] : memref<10000xf32, #tpu.memory_space<vmem>>[vector<16xi32>], vector<16xf32>,
      %get3A_178 = arith.constant 304 : index
      %get3A_179 = tpu.vector_load %arg12[%get3A_178] {strides = array<i32>} : memref<384xi32, #tpu.memory_space<vmem>>, vector<16xi32>,
      %bitcast3A_180 = vector.bitcast %get3A_179 : vector<16xi32> to vector<16xf32>
      %get3A_181 = arith.constant 176 : index
      %get3A_182 = tpu.vector_load %arg12[%get3A_181] {strides = array<i32>} : memref<384xi32, #tpu.memory_space<vmem>>, vector<16xi32>,
      %swap3A_183 = arith.constant 48 : index
      %swap3A_184 = tpu.vector_load %arg14[%swap3A_183] {strides = array<i32>} : memref<128xi32, #tpu.memory_space<vmem>>, vector<16xi32>,
      tpu.vector_store %arg14[%swap3A_183], %get3A_182 {strides = array<i32>} : memref<128xi32, #tpu.memory_space<vmem>>, vector<16xi32>,
      %get3A_185 = arith.constant 64 : index
      %get3A_186 = tpu.vector_load %arg12[%get3A_185] {strides = array<i32>} : memref<384xi32, #tpu.memory_space<vmem>>, vector<16xi32>,
      %gather3A_187 = tpu.vector_load_idx %arg8[%get3A_186] : memref<10000xf32, #tpu.memory_space<vmem>>[vector<16xi32>], vector<16xf32>,
      %get3A_188 = arith.constant 320 : index
      %get3A_189 = tpu.vector_load %arg12[%get3A_188] {strides = array<i32>} : memref<384xi32, #tpu.memory_space<vmem>>, vector<16xi32>,
      %bitcast3A_190 = vector.bitcast %get3A_189 : vector<16xi32> to vector<16xf32>
      %get3A_191 = arith.constant 192 : index
      %get3A_192 = tpu.vector_load %arg12[%get3A_191] {strides = array<i32>} : memref<384xi32, #tpu.memory_space<vmem>>, vector<16xi32>,
      %swap3A_193 = arith.constant 64 : index
      %swap3A_194 = tpu.vector_load %arg14[%swap3A_193] {strides = array<i32>} : memref<128xi32, #tpu.memory_space<vmem>>, vector<16xi32>,
      tpu.vector_store %arg14[%swap3A_193], %get3A_192 {strides = array<i32>} : memref<128xi32, #tpu.memory_space<vmem>>, vector<16xi32>,
      %get3A_195 = arith.constant 80 : index
      %get3A_196 = tpu.vector_load %arg12[%get3A_195] {strides = array<i32>} : memref<384xi32, #tpu.memory_space<vmem>>, vector<16xi32>,
      %gather3A_197 = tpu.vector_load_idx %arg8[%get3A_196] : memref<10000xf32, #tpu.memory_space<vmem>>[vector<16xi32>], vector<16xf32>,
      %get3A_198 = arith.constant 336 : index
      %get3A_199 = tpu.vector_load %arg12[%get3A_198] {strides = array<i32>} : memref<384xi32, #tpu.memory_space<vmem>>, vector<16xi32>,
      %bitcast3A_200 = vector.bitcast %get3A_199 : vector<16xi32> to vector<16xf32>
      %get3A_201 = arith.constant 208 : index
      %get3A_202 = tpu.vector_load %arg12[%get3A_201] {strides = array<i32>} : memref<384xi32, #tpu.memory_space<vmem>>, vector<16xi32>,
      %swap3A_203 = arith.constant 80 : index
      %swap3A_204 = tpu.vector_load %arg14[%swap3A_203] {strides = array<i32>} : memref<128xi32, #tpu.memory_space<vmem>>, vector<16xi32>,
      tpu.vector_store %arg14[%swap3A_203], %get3A_202 {strides = array<i32>} : memref<128xi32, #tpu.memory_space<vmem>>, vector<16xi32>,
      %get3A_205 = arith.constant 96 : index
      %get3A_206 = tpu.vector_load %arg12[%get3A_205] {strides = array<i32>} : memref<384xi32, #tpu.memory_space<vmem>>, vector<16xi32>,
      %gather3A_207 = tpu.vector_load_idx %arg8[%get3A_206] : memref<10000xf32, #tpu.memory_space<vmem>>[vector<16xi32>], vector<16xf32>,
      %get3A_208 = arith.constant 352 : index
      %get3A_209 = tpu.vector_load %arg12[%get3A_208] {strides = array<i32>} : memref<384xi32, #tpu.memory_space<vmem>>, vector<16xi32>,
      %bitcast3A_210 = vector.bitcast %get3A_209 : vector<16xi32> to vector<16xf32>
      %get3A_211 = arith.constant 224 : index
      %get3A_212 = tpu.vector_load %arg12[%get3A_211] {strides = array<i32>} : memref<384xi32, #tpu.memory_space<vmem>>, vector<16xi32>,
      %swap3A_213 = arith.constant 96 : index
      %swap3A_214 = tpu.vector_load %arg14[%swap3A_213] {strides = array<i32>} : memref<128xi32, #tpu.memory_space<vmem>>, vector<16xi32>,
      tpu.vector_store %arg14[%swap3A_213], %get3A_212 {strides = array<i32>} : memref<128xi32, #tpu.memory_space<vmem>>, vector<16xi32>,
      %get3A_215 = arith.constant 112 : index
      %get3A_216 = tpu.vector_load %arg12[%get3A_215] {strides = array<i32>} : memref<384xi32, #tpu.memory_space<vmem>>, vector<16xi32>,
      %gather3A_217 = tpu.vector_load_idx %arg8[%get3A_216] : memref<10000xf32, #tpu.memory_space<vmem>>[vector<16xi32>], vector<16xf32>,
      %get3A_218 = arith.constant 368 : index
      %get3A_219 = tpu.vector_load %arg12[%get3A_218] {strides = array<i32>} : memref<384xi32, #tpu.memory_space<vmem>>, vector<16xi32>,
      %bitcast3A_220 = vector.bitcast %get3A_219 : vector<16xi32> to vector<16xf32>
      %get3A_221 = arith.constant 240 : index
      %get3A_222 = tpu.vector_load %arg12[%get3A_221] {strides = array<i32>} : memref<384xi32, #tpu.memory_space<vmem>>, vector<16xi32>,
      %swap3A_223 = arith.constant 112 : index
      %swap3A_224 = tpu.vector_load %arg14[%swap3A_223] {strides = array<i32>} : memref<128xi32, #tpu.memory_space<vmem>>, vector<16xi32>,
      tpu.vector_store %arg14[%swap3A_223], %get3A_222 {strides = array<i32>} : memref<128xi32, #tpu.memory_space<vmem>>, vector<16xi32>,
      %add3A_225 = arith.addi %mul3A_0, %add3A_141 : i32
      %add3A_226 = arith.constant 2 : i32
      %add3A_227 = arith.addi %add3A_225, %add3A_226 : i32
      %dma_start3A_228 = arith.constant 0 : i32
      %dma_start3A_229 = tpu.memref_slice %arg3[%add3A_227, %dma_start3A_228] : memref<2530x384xi32, #tpu.memory_space<hbm>> -> memref<1x384xi32, #tpu.memory_space<hbm>>
      %dma_start3A_230 = tpu.memref_squeeze %dma_start3A_229 : memref<1x384xi32, #tpu.memory_space<hbm>> -> memref<384xi32, #tpu.memory_space<hbm>>
      %dma_start3A_231 = arith.constant 0 : i32
      %dma_start3A_232 = tpu.memref_slice %arg3[%add3A_227, %dma_start3A_231] : memref<2530x384xi32, #tpu.memory_space<hbm>> -> memref<1x384xi32, #tpu.memory_space<hbm>>
      %dma_start3A_233 = tpu.memref_squeeze %dma_start3A_232 : memref<1x384xi32, #tpu.memory_space<hbm>> -> memref<384xi32, #tpu.memory_space<hbm>>
      tpu.enqueue_dma source(%dma_start3A_233 : memref<384xi32, #tpu.memory_space<hbm>>) target(%arg12 : memref<384xi32, #tpu.memory_space<vmem>>) target_semaphore(%arg20 : memref<!tpu.dma_semaphore, #tpu.memory_space<semaphore_mem>>)
      %ge3A = arith.constant 1 : i32
      %ge3A_234 = arith.cmpi sge, %scan3A_136, %ge3A : i32
      %convert_element_type3A = arith.extui %ge3A_234 : i1 to i32
      %cond3A = arith.constant 0 : i32
      %cond3A_235 = arith.cmpi ne, %convert_element_type3A, %cond3A : i32
      scf.if %cond3A_235 {
        %dma_wait3A_362 = arith.constant 0 : i32
        %dma_wait3A_363 = arith.constant 0 : i32
        %dma_wait3A_364 = tpu.memref_slice %arg19[%dma_wait3A_362, %dma_wait3A_363] : memref<10240x72xf32, #tpu.memory_space<vmem_shared>> -> memref<10240x72xf32, #tpu.memory_space<vmem_shared>>
        tpu.wait_indirect_dma semaphore(%arg22 : memref<!tpu.dma_semaphore, #tpu.memory_space<semaphore_mem>>) src(%arg16 : memref<128x72xf32, #tpu.memory_space<vmem>>) dst(%dma_wait3A_364 : memref<10240x72xf32, #tpu.memory_space<vmem_shared>>)
      } else {
      }
      %scan3A_236 = arith.constant 0 : i32
      %scan3A_237 = arith.constant 0 : i32
      %scan3A_238 = arith.constant 64 : i32
      %scan3A_239 = arith.addi %scan3A_237, %scan3A_238 : i32
      %scan3A_240 = arith.constant 1 : i32
      %scan3A_241 = scf.for %scan3A_362 = %scan3A_237 to %scan3A_239 step %scan3A_240 iter_args(%scan3A_363 = %scan3A_236) -> (i32)  : i32 {
        %broadcast_in_dim3A_364 = vector.broadcast %scan3A_362 : i32 to vector<16xi32>
        %add3A_365 = arith.addi %mul3A_2, %scan3A_362 : i32
        %get3A_366 = arith.index_cast %add3A_365 : i32 to index
        %get3A_367 = arith.constant 0 : index
        %get3A_368 = tpu.vector_load %arg9[%get3A_366, %get3A_367] {strides = array<i32>} : memref<128x16xf32, #tpu.memory_space<vmem>>, vector<16xf32>,
        %add3A_369 = arith.addi %mul3A_2, %scan3A_362 : i32
        %get3A_370 = arith.index_cast %add3A_369 : i32 to index
        %get3A_371 = arith.constant 0 : index
        %get3A_372 = tpu.vector_load %arg10[%get3A_370, %get3A_371] {strides = array<i32>} : memref<128x16xf32, #tpu.memory_space<vmem>>, vector<16xf32>,
        %add3A_373 = arith.addi %mul3A_2, %scan3A_362 : i32
        %get3A_374 = arith.index_cast %add3A_373 : i32 to index
        %get3A_375 = arith.constant 0 : index
        %get3A_376 = tpu.vector_load %arg11[%get3A_374, %get3A_375] {strides = array<i32>} : memref<128x16xf32, #tpu.memory_space<vmem>>, vector<16xf32>,
        %mul3A_377 = arith.mulf %gather3A, %get3A_368 : vector<16xf32>
        %mul3A_378 = arith.mulf %bitcast3A, %get3A_372 : vector<16xf32>
        %add3A_379 = arith.addf %mul3A_378, %get3A_376 : vector<16xf32>
        %add3A_380 = arith.addf %mul3A_377, %add3A_379 : vector<16xf32>
        %exp3A = math.exp %add3A_380 : vector<16xf32>
        %add3A_381 = arith.constant 1.000000e+00 : f32
        %add3A_382 = vector.broadcast %add3A_381 : f32 to vector<16xf32>
        %add3A_383 = arith.addf %exp3A, %add3A_382 : vector<16xf32>
        %div3A = arith.constant 2.000000e+00 : f32
        %div3A_384 = vector.broadcast %div3A : f32 to vector<16xf32>
        %div3A_385 = arith.divf %div3A_384, %add3A_383 : vector<16xf32>
        %sub3A = arith.constant 1.000000e+00 : f32
        %sub3A_386 = vector.broadcast %sub3A : f32 to vector<16xf32>
        %sub3A_387 = arith.subf %sub3A_386, %div3A_385 : vector<16xf32>
        %iota3A_388 = tpu.iota {dimensions = array<i32: 0>} : vector<16xi32>
        %add3A_389 = arith.constant 0 : i32
        %add3A_390 = vector.broadcast %add3A_389 : i32 to vector<16xi32>
        %add3A_391 = arith.addi %add3A_390, %iota3A_388 : vector<16xi32>
        tpu.vector_store_idx %arg16[%add3A_391, %broadcast_in_dim3A_364], %sub3A_387 : memref<128x72xf32, #tpu.memory_space<vmem>>[vector<16xi32>, vector<16xi32>], vector<16xf32>,
        %mul3A_392 = arith.mulf %gather3A_157, %get3A_368 : vector<16xf32>
        %mul3A_393 = arith.mulf %bitcast3A_160, %get3A_372 : vector<16xf32>
        %add3A_394 = arith.addf %mul3A_393, %get3A_376 : vector<16xf32>
        %add3A_395 = arith.addf %mul3A_392, %add3A_394 : vector<16xf32>
        %exp3A_396 = math.exp %add3A_395 : vector<16xf32>
        %add3A_397 = arith.constant 1.000000e+00 : f32
        %add3A_398 = vector.broadcast %add3A_397 : f32 to vector<16xf32>
        %add3A_399 = arith.addf %exp3A_396, %add3A_398 : vector<16xf32>
        %div3A_400 = arith.constant 2.000000e+00 : f32
        %div3A_401 = vector.broadcast %div3A_400 : f32 to vector<16xf32>
        %div3A_402 = arith.divf %div3A_401, %add3A_399 : vector<16xf32>
        %sub3A_403 = arith.constant 1.000000e+00 : f32
        %sub3A_404 = vector.broadcast %sub3A_403 : f32 to vector<16xf32>
        %sub3A_405 = arith.subf %sub3A_404, %div3A_402 : vector<16xf32>
        %iota3A_406 = tpu.iota {dimensions = array<i32: 0>} : vector<16xi32>
        %add3A_407 = arith.constant 16 : i32
        %add3A_408 = vector.broadcast %add3A_407 : i32 to vector<16xi32>
        %add3A_409 = arith.addi %add3A_408, %iota3A_406 : vector<16xi32>
        tpu.vector_store_idx %arg16[%add3A_409, %broadcast_in_dim3A_364], %sub3A_405 : memref<128x72xf32, #tpu.memory_space<vmem>>[vector<16xi32>, vector<16xi32>], vector<16xf32>,
        %mul3A_410 = arith.mulf %gather3A_167, %get3A_368 : vector<16xf32>
        %mul3A_411 = arith.mulf %bitcast3A_170, %get3A_372 : vector<16xf32>
        %add3A_412 = arith.addf %mul3A_411, %get3A_376 : vector<16xf32>
        %add3A_413 = arith.addf %mul3A_410, %add3A_412 : vector<16xf32>
        %exp3A_414 = math.exp %add3A_413 : vector<16xf32>
        %add3A_415 = arith.constant 1.000000e+00 : f32
        %add3A_416 = vector.broadcast %add3A_415 : f32 to vector<16xf32>
        %add3A_417 = arith.addf %exp3A_414, %add3A_416 : vector<16xf32>
        %div3A_418 = arith.constant 2.000000e+00 : f32
        %div3A_419 = vector.broadcast %div3A_418 : f32 to vector<16xf32>
        %div3A_420 = arith.divf %div3A_419, %add3A_417 : vector<16xf32>
        %sub3A_421 = arith.constant 1.000000e+00 : f32
        %sub3A_422 = vector.broadcast %sub3A_421 : f32 to vector<16xf32>
        %sub3A_423 = arith.subf %sub3A_422, %div3A_420 : vector<16xf32>
        %iota3A_424 = tpu.iota {dimensions = array<i32: 0>} : vector<16xi32>
        %add3A_425 = arith.constant 32 : i32
        %add3A_426 = vector.broadcast %add3A_425 : i32 to vector<16xi32>
        %add3A_427 = arith.addi %add3A_426, %iota3A_424 : vector<16xi32>
        tpu.vector_store_idx %arg16[%add3A_427, %broadcast_in_dim3A_364], %sub3A_423 : memref<128x72xf32, #tpu.memory_space<vmem>>[vector<16xi32>, vector<16xi32>], vector<16xf32>,
        %mul3A_428 = arith.mulf %gather3A_177, %get3A_368 : vector<16xf32>
        %mul3A_429 = arith.mulf %bitcast3A_180, %get3A_372 : vector<16xf32>
        %add3A_430 = arith.addf %mul3A_429, %get3A_376 : vector<16xf32>
        %add3A_431 = arith.addf %mul3A_428, %add3A_430 : vector<16xf32>
        %exp3A_432 = math.exp %add3A_431 : vector<16xf32>
        %add3A_433 = arith.constant 1.000000e+00 : f32
        %add3A_434 = vector.broadcast %add3A_433 : f32 to vector<16xf32>
        %add3A_435 = arith.addf %exp3A_432, %add3A_434 : vector<16xf32>
        %div3A_436 = arith.constant 2.000000e+00 : f32
        %div3A_437 = vector.broadcast %div3A_436 : f32 to vector<16xf32>
        %div3A_438 = arith.divf %div3A_437, %add3A_435 : vector<16xf32>
        %sub3A_439 = arith.constant 1.000000e+00 : f32
        %sub3A_440 = vector.broadcast %sub3A_439 : f32 to vector<16xf32>
        %sub3A_441 = arith.subf %sub3A_440, %div3A_438 : vector<16xf32>
        %iota3A_442 = tpu.iota {dimensions = array<i32: 0>} : vector<16xi32>
        %add3A_443 = arith.constant 48 : i32
        %add3A_444 = vector.broadcast %add3A_443 : i32 to vector<16xi32>
        %add3A_445 = arith.addi %add3A_444, %iota3A_442 : vector<16xi32>
        tpu.vector_store_idx %arg16[%add3A_445, %broadcast_in_dim3A_364], %sub3A_441 : memref<128x72xf32, #tpu.memory_space<vmem>>[vector<16xi32>, vector<16xi32>], vector<16xf32>,
        %mul3A_446 = arith.mulf %gather3A_187, %get3A_368 : vector<16xf32>
        %mul3A_447 = arith.mulf %bitcast3A_190, %get3A_372 : vector<16xf32>
        %add3A_448 = arith.addf %mul3A_447, %get3A_376 : vector<16xf32>
        %add3A_449 = arith.addf %mul3A_446, %add3A_448 : vector<16xf32>
        %exp3A_450 = math.exp %add3A_449 : vector<16xf32>
        %add3A_451 = arith.constant 1.000000e+00 : f32
        %add3A_452 = vector.broadcast %add3A_451 : f32 to vector<16xf32>
        %add3A_453 = arith.addf %exp3A_450, %add3A_452 : vector<16xf32>
        %div3A_454 = arith.constant 2.000000e+00 : f32
        %div3A_455 = vector.broadcast %div3A_454 : f32 to vector<16xf32>
        %div3A_456 = arith.divf %div3A_455, %add3A_453 : vector<16xf32>
        %sub3A_457 = arith.constant 1.000000e+00 : f32
        %sub3A_458 = vector.broadcast %sub3A_457 : f32 to vector<16xf32>
        %sub3A_459 = arith.subf %sub3A_458, %div3A_456 : vector<16xf32>
        %iota3A_460 = tpu.iota {dimensions = array<i32: 0>} : vector<16xi32>
        %add3A_461 = arith.constant 64 : i32
        %add3A_462 = vector.broadcast %add3A_461 : i32 to vector<16xi32>
        %add3A_463 = arith.addi %add3A_462, %iota3A_460 : vector<16xi32>
        tpu.vector_store_idx %arg16[%add3A_463, %broadcast_in_dim3A_364], %sub3A_459 : memref<128x72xf32, #tpu.memory_space<vmem>>[vector<16xi32>, vector<16xi32>], vector<16xf32>,
        %mul3A_464 = arith.mulf %gather3A_197, %get3A_368 : vector<16xf32>
        %mul3A_465 = arith.mulf %bitcast3A_200, %get3A_372 : vector<16xf32>
        %add3A_466 = arith.addf %mul3A_465, %get3A_376 : vector<16xf32>
        %add3A_467 = arith.addf %mul3A_464, %add3A_466 : vector<16xf32>
        %exp3A_468 = math.exp %add3A_467 : vector<16xf32>
        %add3A_469 = arith.constant 1.000000e+00 : f32
        %add3A_470 = vector.broadcast %add3A_469 : f32 to vector<16xf32>
        %add3A_471 = arith.addf %exp3A_468, %add3A_470 : vector<16xf32>
        %div3A_472 = arith.constant 2.000000e+00 : f32
        %div3A_473 = vector.broadcast %div3A_472 : f32 to vector<16xf32>
        %div3A_474 = arith.divf %div3A_473, %add3A_471 : vector<16xf32>
        %sub3A_475 = arith.constant 1.000000e+00 : f32
        %sub3A_476 = vector.broadcast %sub3A_475 : f32 to vector<16xf32>
        %sub3A_477 = arith.subf %sub3A_476, %div3A_474 : vector<16xf32>
        %iota3A_478 = tpu.iota {dimensions = array<i32: 0>} : vector<16xi32>
        %add3A_479 = arith.constant 80 : i32
        %add3A_480 = vector.broadcast %add3A_479 : i32 to vector<16xi32>
        %add3A_481 = arith.addi %add3A_480, %iota3A_478 : vector<16xi32>
        tpu.vector_store_idx %arg16[%add3A_481, %broadcast_in_dim3A_364], %sub3A_477 : memref<128x72xf32, #tpu.memory_space<vmem>>[vector<16xi32>, vector<16xi32>], vector<16xf32>,
        %mul3A_482 = arith.mulf %gather3A_207, %get3A_368 : vector<16xf32>
        %mul3A_483 = arith.mulf %bitcast3A_210, %get3A_372 : vector<16xf32>
        %add3A_484 = arith.addf %mul3A_483, %get3A_376 : vector<16xf32>
        %add3A_485 = arith.addf %mul3A_482, %add3A_484 : vector<16xf32>
        %exp3A_486 = math.exp %add3A_485 : vector<16xf32>
        %add3A_487 = arith.constant 1.000000e+00 : f32
        %add3A_488 = vector.broadcast %add3A_487 : f32 to vector<16xf32>
        %add3A_489 = arith.addf %exp3A_486, %add3A_488 : vector<16xf32>
        %div3A_490 = arith.constant 2.000000e+00 : f32
        %div3A_491 = vector.broadcast %div3A_490 : f32 to vector<16xf32>
        %div3A_492 = arith.divf %div3A_491, %add3A_489 : vector<16xf32>
        %sub3A_493 = arith.constant 1.000000e+00 : f32
        %sub3A_494 = vector.broadcast %sub3A_493 : f32 to vector<16xf32>
        %sub3A_495 = arith.subf %sub3A_494, %div3A_492 : vector<16xf32>
        %iota3A_496 = tpu.iota {dimensions = array<i32: 0>} : vector<16xi32>
        %add3A_497 = arith.constant 96 : i32
        %add3A_498 = vector.broadcast %add3A_497 : i32 to vector<16xi32>
        %add3A_499 = arith.addi %add3A_498, %iota3A_496 : vector<16xi32>
        tpu.vector_store_idx %arg16[%add3A_499, %broadcast_in_dim3A_364], %sub3A_495 : memref<128x72xf32, #tpu.memory_space<vmem>>[vector<16xi32>, vector<16xi32>], vector<16xf32>,
        %mul3A_500 = arith.mulf %gather3A_217, %get3A_368 : vector<16xf32>
        %mul3A_501 = arith.mulf %bitcast3A_220, %get3A_372 : vector<16xf32>
        %add3A_502 = arith.addf %mul3A_501, %get3A_376 : vector<16xf32>
        %add3A_503 = arith.addf %mul3A_500, %add3A_502 : vector<16xf32>
        %exp3A_504 = math.exp %add3A_503 : vector<16xf32>
        %add3A_505 = arith.constant 1.000000e+00 : f32
        %add3A_506 = vector.broadcast %add3A_505 : f32 to vector<16xf32>
        %add3A_507 = arith.addf %exp3A_504, %add3A_506 : vector<16xf32>
        %div3A_508 = arith.constant 2.000000e+00 : f32
        %div3A_509 = vector.broadcast %div3A_508 : f32 to vector<16xf32>
        %div3A_510 = arith.divf %div3A_509, %add3A_507 : vector<16xf32>
        %sub3A_511 = arith.constant 1.000000e+00 : f32
        %sub3A_512 = vector.broadcast %sub3A_511 : f32 to vector<16xf32>
        %sub3A_513 = arith.subf %sub3A_512, %div3A_510 : vector<16xf32>
        %iota3A_514 = tpu.iota {dimensions = array<i32: 0>} : vector<16xi32>
        %add3A_515 = arith.constant 112 : i32
        %add3A_516 = vector.broadcast %add3A_515 : i32 to vector<16xi32>
        %add3A_517 = arith.addi %add3A_516, %iota3A_514 : vector<16xi32>
        tpu.vector_store_idx %arg16[%add3A_517, %broadcast_in_dim3A_364], %sub3A_513 : memref<128x72xf32, #tpu.memory_space<vmem>>[vector<16xi32>, vector<16xi32>], vector<16xf32>,
        %scan3A_518 = arith.constant 0 : i32
        scf.yield %scan3A_518 : i32
      }
      %scan3A_242 = arith.constant 64 : i32
      %dma_start3A_243 = arith.constant 0 : i32
      %dma_start3A_244 = arith.constant 0 : i32
      %dma_start3A_245 = tpu.memref_slice %arg19[%dma_start3A_243, %dma_start3A_244] : memref<10240x72xf32, #tpu.memory_space<vmem_shared>> -> memref<10240x72xf32, #tpu.memory_space<vmem_shared>>
      tpu.enqueue_indirect_dma source(%arg16 : memref<128x72xf32, #tpu.memory_space<vmem>>) target(%dma_start3A_245 : memref<10240x72xf32, #tpu.memory_space<vmem_shared>>) offsets(%arg14 : memref<128xi32, #tpu.memory_space<vmem>>) semaphore(%arg22 : memref<!tpu.dma_semaphore, #tpu.memory_space<semaphore_mem>>) {add = true}
      %mul3A_246 = arith.constant 2 : i32
      %mul3A_247 = arith.muli %mul3A_246, %scan3A_136 : i32
      %add3A_248 = arith.constant 1 : i32
      %add3A_249 = arith.addi %mul3A_247, %add3A_248 : i32
      %dma_wait3A_250 = arith.constant 0 : i32
      %dma_wait3A_251 = arith.constant 0 : i32
      %dma_wait3A_252 = tpu.memref_slice %arg3[%dma_wait3A_250, %dma_wait3A_251] : memref<2530x384xi32, #tpu.memory_space<hbm>> -> memref<1x384xi32, #tpu.memory_space<hbm>>
      %dma_wait3A_253 = tpu.memref_squeeze %dma_wait3A_252 : memref<1x384xi32, #tpu.memory_space<hbm>> -> memref<384xi32, #tpu.memory_space<hbm>>
      %dma_wait3A_254 = arith.constant 0 : i32
      %dma_wait3A_255 = tpu.memref_slice %arg3[%dma_wait3A_250, %dma_wait3A_254] : memref<2530x384xi32, #tpu.memory_space<hbm>> -> memref<1x384xi32, #tpu.memory_space<hbm>>
      %dma_wait3A_256 = tpu.memref_squeeze %dma_wait3A_255 : memref<1x384xi32, #tpu.memory_space<hbm>> -> memref<384xi32, #tpu.memory_space<hbm>>
      tpu.wait_dma2 semaphore(%arg21 : memref<!tpu.dma_semaphore, #tpu.memory_space<semaphore_mem>>) src(%dma_wait3A_256 : memref<384xi32, #tpu.memory_space<hbm>>) dst(%arg13 : memref<384xi32, #tpu.memory_space<vmem>>)
      %get3A_257 = arith.constant 0 : index
      %get3A_258 = tpu.vector_load %arg13[%get3A_257] {strides = array<i32>} : memref<384xi32, #tpu.memory_space<vmem>>, vector<16xi32>,
      %gather3A_259 = tpu.vector_load_idx %arg8[%get3A_258] : memref<10000xf32, #tpu.memory_space<vmem>>[vector<16xi32>], vector<16xf32>,
      %get3A_260 = arith.constant 256 : index
      %get3A_261 = tpu.vector_load %arg13[%get3A_260] {strides = array<i32>} : memref<384xi32, #tpu.memory_space<vmem>>, vector<16xi32>,
      %bitcast3A_262 = vector.bitcast %get3A_261 : vector<16xi32> to vector<16xf32>
      %get3A_263 = arith.constant 128 : index
      %get3A_264 = tpu.vector_load %arg13[%get3A_263] {strides = array<i32>} : memref<384xi32, #tpu.memory_space<vmem>>, vector<16xi32>,
      %swap3A_265 = arith.constant 0 : index
      %swap3A_266 = tpu.vector_load %arg15[%swap3A_265] {strides = array<i32>} : memref<128xi32, #tpu.memory_space<vmem>>, vector<16xi32>,
      tpu.vector_store %arg15[%swap3A_265], %get3A_264 {strides = array<i32>} : memref<128xi32, #tpu.memory_space<vmem>>, vector<16xi32>,
      %get3A_267 = arith.constant 16 : index
      %get3A_268 = tpu.vector_load %arg13[%get3A_267] {strides = array<i32>} : memref<384xi32, #tpu.memory_space<vmem>>, vector<16xi32>,
      %gather3A_269 = tpu.vector_load_idx %arg8[%get3A_268] : memref<10000xf32, #tpu.memory_space<vmem>>[vector<16xi32>], vector<16xf32>,
      %get3A_270 = arith.constant 272 : index
      %get3A_271 = tpu.vector_load %arg13[%get3A_270] {strides = array<i32>} : memref<384xi32, #tpu.memory_space<vmem>>, vector<16xi32>,
      %bitcast3A_272 = vector.bitcast %get3A_271 : vector<16xi32> to vector<16xf32>
      %get3A_273 = arith.constant 144 : index
      %get3A_274 = tpu.vector_load %arg13[%get3A_273] {strides = array<i32>} : memref<384xi32, #tpu.memory_space<vmem>>, vector<16xi32>,
      %swap3A_275 = arith.constant 16 : index
      %swap3A_276 = tpu.vector_load %arg15[%swap3A_275] {strides = array<i32>} : memref<128xi32, #tpu.memory_space<vmem>>, vector<16xi32>,
      tpu.vector_store %arg15[%swap3A_275], %get3A_274 {strides = array<i32>} : memref<128xi32, #tpu.memory_space<vmem>>, vector<16xi32>,
      %get3A_277 = arith.constant 32 : index
      %get3A_278 = tpu.vector_load %arg13[%get3A_277] {strides = array<i32>} : memref<384xi32, #tpu.memory_space<vmem>>, vector<16xi32>,
      %gather3A_279 = tpu.vector_load_idx %arg8[%get3A_278] : memref<10000xf32, #tpu.memory_space<vmem>>[vector<16xi32>], vector<16xf32>,
      %get3A_280 = arith.constant 288 : index
      %get3A_281 = tpu.vector_load %arg13[%get3A_280] {strides = array<i32>} : memref<384xi32, #tpu.memory_space<vmem>>, vector<16xi32>,
      %bitcast3A_282 = vector.bitcast %get3A_281 : vector<16xi32> to vector<16xf32>
      %get3A_283 = arith.constant 160 : index
      %get3A_284 = tpu.vector_load %arg13[%get3A_283] {strides = array<i32>} : memref<384xi32, #tpu.memory_space<vmem>>, vector<16xi32>,
      %swap3A_285 = arith.constant 32 : index
      %swap3A_286 = tpu.vector_load %arg15[%swap3A_285] {strides = array<i32>} : memref<128xi32, #tpu.memory_space<vmem>>, vector<16xi32>,
      tpu.vector_store %arg15[%swap3A_285], %get3A_284 {strides = array<i32>} : memref<128xi32, #tpu.memory_space<vmem>>, vector<16xi32>,
      %get3A_287 = arith.constant 48 : index
      %get3A_288 = tpu.vector_load %arg13[%get3A_287] {strides = array<i32>} : memref<384xi32, #tpu.memory_space<vmem>>, vector<16xi32>,
      %gather3A_289 = tpu.vector_load_idx %arg8[%get3A_288] : memref<10000xf32, #tpu.memory_space<vmem>>[vector<16xi32>], vector<16xf32>,
      %get3A_290 = arith.constant 304 : index
      %get3A_291 = tpu.vector_load %arg13[%get3A_290] {strides = array<i32>} : memref<384xi32, #tpu.memory_space<vmem>>, vector<16xi32>,
      %bitcast3A_292 = vector.bitcast %get3A_291 : vector<16xi32> to vector<16xf32>
      %get3A_293 = arith.constant 176 : index
      %get3A_294 = tpu.vector_load %arg13[%get3A_293] {strides = array<i32>} : memref<384xi32, #tpu.memory_space<vmem>>, vector<16xi32>,
      %swap3A_295 = arith.constant 48 : index
      %swap3A_296 = tpu.vector_load %arg15[%swap3A_295] {strides = array<i32>} : memref<128xi32, #tpu.memory_space<vmem>>, vector<16xi32>,
      tpu.vector_store %arg15[%swap3A_295], %get3A_294 {strides = array<i32>} : memref<128xi32, #tpu.memory_space<vmem>>, vector<16xi32>,
      %get3A_297 = arith.constant 64 : index
      %get3A_298 = tpu.vector_load %arg13[%get3A_297] {strides = array<i32>} : memref<384xi32, #tpu.memory_space<vmem>>, vector<16xi32>,
      %gather3A_299 = tpu.vector_load_idx %arg8[%get3A_298] : memref<10000xf32, #tpu.memory_space<vmem>>[vector<16xi32>], vector<16xf32>,
      %get3A_300 = arith.constant 320 : index
      %get3A_301 = tpu.vector_load %arg13[%get3A_300] {strides = array<i32>} : memref<384xi32, #tpu.memory_space<vmem>>, vector<16xi32>,
      %bitcast3A_302 = vector.bitcast %get3A_301 : vector<16xi32> to vector<16xf32>
      %get3A_303 = arith.constant 192 : index
      %get3A_304 = tpu.vector_load %arg13[%get3A_303] {strides = array<i32>} : memref<384xi32, #tpu.memory_space<vmem>>, vector<16xi32>,
      %swap3A_305 = arith.constant 64 : index
      %swap3A_306 = tpu.vector_load %arg15[%swap3A_305] {strides = array<i32>} : memref<128xi32, #tpu.memory_space<vmem>>, vector<16xi32>,
      tpu.vector_store %arg15[%swap3A_305], %get3A_304 {strides = array<i32>} : memref<128xi32, #tpu.memory_space<vmem>>, vector<16xi32>,
      %get3A_307 = arith.constant 80 : index
      %get3A_308 = tpu.vector_load %arg13[%get3A_307] {strides = array<i32>} : memref<384xi32, #tpu.memory_space<vmem>>, vector<16xi32>,
      %gather3A_309 = tpu.vector_load_idx %arg8[%get3A_308] : memref<10000xf32, #tpu.memory_space<vmem>>[vector<16xi32>], vector<16xf32>,
      %get3A_310 = arith.constant 336 : index
      %get3A_311 = tpu.vector_load %arg13[%get3A_310] {strides = array<i32>} : memref<384xi32, #tpu.memory_space<vmem>>, vector<16xi32>,
      %bitcast3A_312 = vector.bitcast %get3A_311 : vector<16xi32> to vector<16xf32>
      %get3A_313 = arith.constant 208 : index
      %get3A_314 = tpu.vector_load %arg13[%get3A_313] {strides = array<i32>} : memref<384xi32, #tpu.memory_space<vmem>>, vector<16xi32>,
      %swap3A_315 = arith.constant 80 : index
      %swap3A_316 = tpu.vector_load %arg15[%swap3A_315] {strides = array<i32>} : memref<128xi32, #tpu.memory_space<vmem>>, vector<16xi32>,
      tpu.vector_store %arg15[%swap3A_315], %get3A_314 {strides = array<i32>} : memref<128xi32, #tpu.memory_space<vmem>>, vector<16xi32>,
      %get3A_317 = arith.constant 96 : index
      %get3A_318 = tpu.vector_load %arg13[%get3A_317] {strides = array<i32>} : memref<384xi32, #tpu.memory_space<vmem>>, vector<16xi32>,
      %gather3A_319 = tpu.vector_load_idx %arg8[%get3A_318] : memref<10000xf32, #tpu.memory_space<vmem>>[vector<16xi32>], vector<16xf32>,
      %get3A_320 = arith.constant 352 : index
      %get3A_321 = tpu.vector_load %arg13[%get3A_320] {strides = array<i32>} : memref<384xi32, #tpu.memory_space<vmem>>, vector<16xi32>,
      %bitcast3A_322 = vector.bitcast %get3A_321 : vector<16xi32> to vector<16xf32>
      %get3A_323 = arith.constant 224 : index
      %get3A_324 = tpu.vector_load %arg13[%get3A_323] {strides = array<i32>} : memref<384xi32, #tpu.memory_space<vmem>>, vector<16xi32>,
      %swap3A_325 = arith.constant 96 : index
      %swap3A_326 = tpu.vector_load %arg15[%swap3A_325] {strides = array<i32>} : memref<128xi32, #tpu.memory_space<vmem>>, vector<16xi32>,
      tpu.vector_store %arg15[%swap3A_325], %get3A_324 {strides = array<i32>} : memref<128xi32, #tpu.memory_space<vmem>>, vector<16xi32>,
      %get3A_327 = arith.constant 112 : index
      %get3A_328 = tpu.vector_load %arg13[%get3A_327] {strides = array<i32>} : memref<384xi32, #tpu.memory_space<vmem>>, vector<16xi32>,
      %gather3A_329 = tpu.vector_load_idx %arg8[%get3A_328] : memref<10000xf32, #tpu.memory_space<vmem>>[vector<16xi32>], vector<16xf32>,
      %get3A_330 = arith.constant 368 : index
      %get3A_331 = tpu.vector_load %arg13[%get3A_330] {strides = array<i32>} : memref<384xi32, #tpu.memory_space<vmem>>, vector<16xi32>,
      %bitcast3A_332 = vector.bitcast %get3A_331 : vector<16xi32> to vector<16xf32>
      %get3A_333 = arith.constant 240 : index
      %get3A_334 = tpu.vector_load %arg13[%get3A_333] {strides = array<i32>} : memref<384xi32, #tpu.memory_space<vmem>>, vector<16xi32>,
      %swap3A_335 = arith.constant 112 : index
      %swap3A_336 = tpu.vector_load %arg15[%swap3A_335] {strides = array<i32>} : memref<128xi32, #tpu.memory_space<vmem>>, vector<16xi32>,
      tpu.vector_store %arg15[%swap3A_335], %get3A_334 {strides = array<i32>} : memref<128xi32, #tpu.memory_space<vmem>>, vector<16xi32>,
      %add3A_337 = arith.addi %mul3A_0, %add3A_249 : i32
      %add3A_338 = arith.constant 2 : i32
      %add3A_339 = arith.addi %add3A_337, %add3A_338 : i32
      %dma_start3A_340 = arith.constant 0 : i32
      %dma_start3A_341 = tpu.memref_slice %arg3[%add3A_339, %dma_start3A_340] : memref<2530x384xi32, #tpu.memory_space<hbm>> -> memref<1x384xi32, #tpu.memory_space<hbm>>
      %dma_start3A_342 = tpu.memref_squeeze %dma_start3A_341 : memref<1x384xi32, #tpu.memory_space<hbm>> -> memref<384xi32, #tpu.memory_space<hbm>>
      %dma_start3A_343 = arith.constant 0 : i32
      %dma_start3A_344 = tpu.memref_slice %arg3[%add3A_339, %dma_start3A_343] : memref<2530x384xi32, #tpu.memory_space<hbm>> -> memref<1x384xi32, #tpu.memory_space<hbm>>
      %dma_start3A_345 = tpu.memref_squeeze %dma_start3A_344 : memref<1x384xi32, #tpu.memory_space<hbm>> -> memref<384xi32, #tpu.memory_space<hbm>>
      tpu.enqueue_dma source(%dma_start3A_345 : memref<384xi32, #tpu.memory_space<hbm>>) target(%arg13 : memref<384xi32, #tpu.memory_space<vmem>>) target_semaphore(%arg21 : memref<!tpu.dma_semaphore, #tpu.memory_space<semaphore_mem>>)
      %ge3A_346 = arith.constant 1 : i32
      %ge3A_347 = arith.cmpi sge, %scan3A_136, %ge3A_346 : i32
      %convert_element_type3A_348 = arith.extui %ge3A_347 : i1 to i32
      %cond3A_349 = arith.constant 0 : i32
      %cond3A_350 = arith.cmpi ne, %convert_element_type3A_348, %cond3A_349 : i32
      scf.if %cond3A_350 {
        %dma_wait3A_362 = arith.constant 0 : i32
        %dma_wait3A_363 = arith.constant 0 : i32
        %dma_wait3A_364 = tpu.memref_slice %arg19[%dma_wait3A_362, %dma_wait3A_363] : memref<10240x72xf32, #tpu.memory_space<vmem_shared>> -> memref<10240x72xf32, #tpu.memory_space<vmem_shared>>
        tpu.wait_indirect_dma semaphore(%arg23 : memref<!tpu.dma_semaphore, #tpu.memory_space<semaphore_mem>>) src(%arg17 : memref<128x72xf32, #tpu.memory_space<vmem>>) dst(%dma_wait3A_364 : memref<10240x72xf32, #tpu.memory_space<vmem_shared>>)
      } else {
      }
      %scan3A_351 = arith.constant 0 : i32
      %scan3A_352 = arith.constant 0 : i32
      %scan3A_353 = arith.constant 64 : i32
      %scan3A_354 = arith.addi %scan3A_352, %scan3A_353 : i32
      %scan3A_355 = arith.constant 1 : i32
      %scan3A_356 = scf.for %scan3A_362 = %scan3A_352 to %scan3A_354 step %scan3A_355 iter_args(%scan3A_363 = %scan3A_351) -> (i32)  : i32 {
        %broadcast_in_dim3A_364 = vector.broadcast %scan3A_362 : i32 to vector<16xi32>
        %add3A_365 = arith.addi %mul3A_2, %scan3A_362 : i32
        %get3A_366 = arith.index_cast %add3A_365 : i32 to index
        %get3A_367 = arith.constant 0 : index
        %get3A_368 = tpu.vector_load %arg9[%get3A_366, %get3A_367] {strides = array<i32>} : memref<128x16xf32, #tpu.memory_space<vmem>>, vector<16xf32>,
        %add3A_369 = arith.addi %mul3A_2, %scan3A_362 : i32
        %get3A_370 = arith.index_cast %add3A_369 : i32 to index
        %get3A_371 = arith.constant 0 : index
        %get3A_372 = tpu.vector_load %arg10[%get3A_370, %get3A_371] {strides = array<i32>} : memref<128x16xf32, #tpu.memory_space<vmem>>, vector<16xf32>,
        %add3A_373 = arith.addi %mul3A_2, %scan3A_362 : i32
        %get3A_374 = arith.index_cast %add3A_373 : i32 to index
        %get3A_375 = arith.constant 0 : index
        %get3A_376 = tpu.vector_load %arg11[%get3A_374, %get3A_375] {strides = array<i32>} : memref<128x16xf32, #tpu.memory_space<vmem>>, vector<16xf32>,
        %mul3A_377 = arith.mulf %gather3A_259, %get3A_368 : vector<16xf32>
        %mul3A_378 = arith.mulf %bitcast3A_262, %get3A_372 : vector<16xf32>
        %add3A_379 = arith.addf %mul3A_378, %get3A_376 : vector<16xf32>
        %add3A_380 = arith.addf %mul3A_377, %add3A_379 : vector<16xf32>
        %exp3A = math.exp %add3A_380 : vector<16xf32>
        %add3A_381 = arith.constant 1.000000e+00 : f32
        %add3A_382 = vector.broadcast %add3A_381 : f32 to vector<16xf32>
        %add3A_383 = arith.addf %exp3A, %add3A_382 : vector<16xf32>
        %div3A = arith.constant 2.000000e+00 : f32
        %div3A_384 = vector.broadcast %div3A : f32 to vector<16xf32>
        %div3A_385 = arith.divf %div3A_384, %add3A_383 : vector<16xf32>
        %sub3A = arith.constant 1.000000e+00 : f32
        %sub3A_386 = vector.broadcast %sub3A : f32 to vector<16xf32>
        %sub3A_387 = arith.subf %sub3A_386, %div3A_385 : vector<16xf32>
        %iota3A_388 = tpu.iota {dimensions = array<i32: 0>} : vector<16xi32>
        %add3A_389 = arith.constant 0 : i32
        %add3A_390 = vector.broadcast %add3A_389 : i32 to vector<16xi32>
        %add3A_391 = arith.addi %add3A_390, %iota3A_388 : vector<16xi32>
        tpu.vector_store_idx %arg17[%add3A_391, %broadcast_in_dim3A_364], %sub3A_387 : memref<128x72xf32, #tpu.memory_space<vmem>>[vector<16xi32>, vector<16xi32>], vector<16xf32>,
        %mul3A_392 = arith.mulf %gather3A_269, %get3A_368 : vector<16xf32>
        %mul3A_393 = arith.mulf %bitcast3A_272, %get3A_372 : vector<16xf32>
        %add3A_394 = arith.addf %mul3A_393, %get3A_376 : vector<16xf32>
        %add3A_395 = arith.addf %mul3A_392, %add3A_394 : vector<16xf32>
        %exp3A_396 = math.exp %add3A_395 : vector<16xf32>
        %add3A_397 = arith.constant 1.000000e+00 : f32
        %add3A_398 = vector.broadcast %add3A_397 : f32 to vector<16xf32>
        %add3A_399 = arith.addf %exp3A_396, %add3A_398 : vector<16xf32>
        %div3A_400 = arith.constant 2.000000e+00 : f32
        %div3A_401 = vector.broadcast %div3A_400 : f32 to vector<16xf32>
        %div3A_402 = arith.divf %div3A_401, %add3A_399 : vector<16xf32>
        %sub3A_403 = arith.constant 1.000000e+00 : f32
        %sub3A_404 = vector.broadcast %sub3A_403 : f32 to vector<16xf32>
        %sub3A_405 = arith.subf %sub3A_404, %div3A_402 : vector<16xf32>
        %iota3A_406 = tpu.iota {dimensions = array<i32: 0>} : vector<16xi32>
        %add3A_407 = arith.constant 16 : i32
        %add3A_408 = vector.broadcast %add3A_407 : i32 to vector<16xi32>
        %add3A_409 = arith.addi %add3A_408, %iota3A_406 : vector<16xi32>
        tpu.vector_store_idx %arg17[%add3A_409, %broadcast_in_dim3A_364], %sub3A_405 : memref<128x72xf32, #tpu.memory_space<vmem>>[vector<16xi32>, vector<16xi32>], vector<16xf32>,
        %mul3A_410 = arith.mulf %gather3A_279, %get3A_368 : vector<16xf32>
        %mul3A_411 = arith.mulf %bitcast3A_282, %get3A_372 : vector<16xf32>
        %add3A_412 = arith.addf %mul3A_411, %get3A_376 : vector<16xf32>
        %add3A_413 = arith.addf %mul3A_410, %add3A_412 : vector<16xf32>
        %exp3A_414 = math.exp %add3A_413 : vector<16xf32>
        %add3A_415 = arith.constant 1.000000e+00 : f32
        %add3A_416 = vector.broadcast %add3A_415 : f32 to vector<16xf32>
        %add3A_417 = arith.addf %exp3A_414, %add3A_416 : vector<16xf32>
        %div3A_418 = arith.constant 2.000000e+00 : f32
        %div3A_419 = vector.broadcast %div3A_418 : f32 to vector<16xf32>
        %div3A_420 = arith.divf %div3A_419, %add3A_417 : vector<16xf32>
        %sub3A_421 = arith.constant 1.000000e+00 : f32
        %sub3A_422 = vector.broadcast %sub3A_421 : f32 to vector<16xf32>
        %sub3A_423 = arith.subf %sub3A_422, %div3A_420 : vector<16xf32>
        %iota3A_424 = tpu.iota {dimensions = array<i32: 0>} : vector<16xi32>
        %add3A_425 = arith.constant 32 : i32
        %add3A_426 = vector.broadcast %add3A_425 : i32 to vector<16xi32>
        %add3A_427 = arith.addi %add3A_426, %iota3A_424 : vector<16xi32>
        tpu.vector_store_idx %arg17[%add3A_427, %broadcast_in_dim3A_364], %sub3A_423 : memref<128x72xf32, #tpu.memory_space<vmem>>[vector<16xi32>, vector<16xi32>], vector<16xf32>,
        %mul3A_428 = arith.mulf %gather3A_289, %get3A_368 : vector<16xf32>
        %mul3A_429 = arith.mulf %bitcast3A_292, %get3A_372 : vector<16xf32>
        %add3A_430 = arith.addf %mul3A_429, %get3A_376 : vector<16xf32>
        %add3A_431 = arith.addf %mul3A_428, %add3A_430 : vector<16xf32>
        %exp3A_432 = math.exp %add3A_431 : vector<16xf32>
        %add3A_433 = arith.constant 1.000000e+00 : f32
        %add3A_434 = vector.broadcast %add3A_433 : f32 to vector<16xf32>
        %add3A_435 = arith.addf %exp3A_432, %add3A_434 : vector<16xf32>
        %div3A_436 = arith.constant 2.000000e+00 : f32
        %div3A_437 = vector.broadcast %div3A_436 : f32 to vector<16xf32>
        %div3A_438 = arith.divf %div3A_437, %add3A_435 : vector<16xf32>
        %sub3A_439 = arith.constant 1.000000e+00 : f32
        %sub3A_440 = vector.broadcast %sub3A_439 : f32 to vector<16xf32>
        %sub3A_441 = arith.subf %sub3A_440, %div3A_438 : vector<16xf32>
        %iota3A_442 = tpu.iota {dimensions = array<i32: 0>} : vector<16xi32>
        %add3A_443 = arith.constant 48 : i32
        %add3A_444 = vector.broadcast %add3A_443 : i32 to vector<16xi32>
        %add3A_445 = arith.addi %add3A_444, %iota3A_442 : vector<16xi32>
        tpu.vector_store_idx %arg17[%add3A_445, %broadcast_in_dim3A_364], %sub3A_441 : memref<128x72xf32, #tpu.memory_space<vmem>>[vector<16xi32>, vector<16xi32>], vector<16xf32>,
        %mul3A_446 = arith.mulf %gather3A_299, %get3A_368 : vector<16xf32>
        %mul3A_447 = arith.mulf %bitcast3A_302, %get3A_372 : vector<16xf32>
        %add3A_448 = arith.addf %mul3A_447, %get3A_376 : vector<16xf32>
        %add3A_449 = arith.addf %mul3A_446, %add3A_448 : vector<16xf32>
        %exp3A_450 = math.exp %add3A_449 : vector<16xf32>
        %add3A_451 = arith.constant 1.000000e+00 : f32
        %add3A_452 = vector.broadcast %add3A_451 : f32 to vector<16xf32>
        %add3A_453 = arith.addf %exp3A_450, %add3A_452 : vector<16xf32>
        %div3A_454 = arith.constant 2.000000e+00 : f32
        %div3A_455 = vector.broadcast %div3A_454 : f32 to vector<16xf32>
        %div3A_456 = arith.divf %div3A_455, %add3A_453 : vector<16xf32>
        %sub3A_457 = arith.constant 1.000000e+00 : f32
        %sub3A_458 = vector.broadcast %sub3A_457 : f32 to vector<16xf32>
        %sub3A_459 = arith.subf %sub3A_458, %div3A_456 : vector<16xf32>
        %iota3A_460 = tpu.iota {dimensions = array<i32: 0>} : vector<16xi32>
        %add3A_461 = arith.constant 64 : i32
        %add3A_462 = vector.broadcast %add3A_461 : i32 to vector<16xi32>
        %add3A_463 = arith.addi %add3A_462, %iota3A_460 : vector<16xi32>
        tpu.vector_store_idx %arg17[%add3A_463, %broadcast_in_dim3A_364], %sub3A_459 : memref<128x72xf32, #tpu.memory_space<vmem>>[vector<16xi32>, vector<16xi32>], vector<16xf32>,
        %mul3A_464 = arith.mulf %gather3A_309, %get3A_368 : vector<16xf32>
        %mul3A_465 = arith.mulf %bitcast3A_312, %get3A_372 : vector<16xf32>
        %add3A_466 = arith.addf %mul3A_465, %get3A_376 : vector<16xf32>
        %add3A_467 = arith.addf %mul3A_464, %add3A_466 : vector<16xf32>
        %exp3A_468 = math.exp %add3A_467 : vector<16xf32>
        %add3A_469 = arith.constant 1.000000e+00 : f32
        %add3A_470 = vector.broadcast %add3A_469 : f32 to vector<16xf32>
        %add3A_471 = arith.addf %exp3A_468, %add3A_470 : vector<16xf32>
        %div3A_472 = arith.constant 2.000000e+00 : f32
        %div3A_473 = vector.broadcast %div3A_472 : f32 to vector<16xf32>
        %div3A_474 = arith.divf %div3A_473, %add3A_471 : vector<16xf32>
        %sub3A_475 = arith.constant 1.000000e+00 : f32
        %sub3A_476 = vector.broadcast %sub3A_475 : f32 to vector<16xf32>
        %sub3A_477 = arith.subf %sub3A_476, %div3A_474 : vector<16xf32>
        %iota3A_478 = tpu.iota {dimensions = array<i32: 0>} : vector<16xi32>
        %add3A_479 = arith.constant 80 : i32
        %add3A_480 = vector.broadcast %add3A_479 : i32 to vector<16xi32>
        %add3A_481 = arith.addi %add3A_480, %iota3A_478 : vector<16xi32>
        tpu.vector_store_idx %arg17[%add3A_481, %broadcast_in_dim3A_364], %sub3A_477 : memref<128x72xf32, #tpu.memory_space<vmem>>[vector<16xi32>, vector<16xi32>], vector<16xf32>,
        %mul3A_482 = arith.mulf %gather3A_319, %get3A_368 : vector<16xf32>
        %mul3A_483 = arith.mulf %bitcast3A_322, %get3A_372 : vector<16xf32>
        %add3A_484 = arith.addf %mul3A_483, %get3A_376 : vector<16xf32>
        %add3A_485 = arith.addf %mul3A_482, %add3A_484 : vector<16xf32>
        %exp3A_486 = math.exp %add3A_485 : vector<16xf32>
        %add3A_487 = arith.constant 1.000000e+00 : f32
        %add3A_488 = vector.broadcast %add3A_487 : f32 to vector<16xf32>
        %add3A_489 = arith.addf %exp3A_486, %add3A_488 : vector<16xf32>
        %div3A_490 = arith.constant 2.000000e+00 : f32
        %div3A_491 = vector.broadcast %div3A_490 : f32 to vector<16xf32>
        %div3A_492 = arith.divf %div3A_491, %add3A_489 : vector<16xf32>
        %sub3A_493 = arith.constant 1.000000e+00 : f32
        %sub3A_494 = vector.broadcast %sub3A_493 : f32 to vector<16xf32>
        %sub3A_495 = arith.subf %sub3A_494, %div3A_492 : vector<16xf32>
        %iota3A_496 = tpu.iota {dimensions = array<i32: 0>} : vector<16xi32>
        %add3A_497 = arith.constant 96 : i32
        %add3A_498 = vector.broadcast %add3A_497 : i32 to vector<16xi32>
        %add3A_499 = arith.addi %add3A_498, %iota3A_496 : vector<16xi32>
        tpu.vector_store_idx %arg17[%add3A_499, %broadcast_in_dim3A_364], %sub3A_495 : memref<128x72xf32, #tpu.memory_space<vmem>>[vector<16xi32>, vector<16xi32>], vector<16xf32>,
        %mul3A_500 = arith.mulf %gather3A_329, %get3A_368 : vector<16xf32>
        %mul3A_501 = arith.mulf %bitcast3A_332, %get3A_372 : vector<16xf32>
        %add3A_502 = arith.addf %mul3A_501, %get3A_376 : vector<16xf32>
        %add3A_503 = arith.addf %mul3A_500, %add3A_502 : vector<16xf32>
        %exp3A_504 = math.exp %add3A_503 : vector<16xf32>
        %add3A_505 = arith.constant 1.000000e+00 : f32
        %add3A_506 = vector.broadcast %add3A_505 : f32 to vector<16xf32>
        %add3A_507 = arith.addf %exp3A_504, %add3A_506 : vector<16xf32>
        %div3A_508 = arith.constant 2.000000e+00 : f32
        %div3A_509 = vector.broadcast %div3A_508 : f32 to vector<16xf32>
        %div3A_510 = arith.divf %div3A_509, %add3A_507 : vector<16xf32>
        %sub3A_511 = arith.constant 1.000000e+00 : f32
        %sub3A_512 = vector.broadcast %sub3A_511 : f32 to vector<16xf32>
        %sub3A_513 = arith.subf %sub3A_512, %div3A_510 : vector<16xf32>
        %iota3A_514 = tpu.iota {dimensions = array<i32: 0>} : vector<16xi32>
        %add3A_515 = arith.constant 112 : i32
        %add3A_516 = vector.broadcast %add3A_515 : i32 to vector<16xi32>
        %add3A_517 = arith.addi %add3A_516, %iota3A_514 : vector<16xi32>
        tpu.vector_store_idx %arg17[%add3A_517, %broadcast_in_dim3A_364], %sub3A_513 : memref<128x72xf32, #tpu.memory_space<vmem>>[vector<16xi32>, vector<16xi32>], vector<16xf32>,
        %scan3A_518 = arith.constant 0 : i32
        scf.yield %scan3A_518 : i32
      }
      %scan3A_357 = arith.constant 64 : i32
      %dma_start3A_358 = arith.constant 0 : i32
      %dma_start3A_359 = arith.constant 0 : i32
      %dma_start3A_360 = tpu.memref_slice %arg19[%dma_start3A_358, %dma_start3A_359] : memref<10240x72xf32, #tpu.memory_space<vmem_shared>> -> memref<10240x72xf32, #tpu.memory_space<vmem_shared>>
      tpu.enqueue_indirect_dma source(%arg17 : memref<128x72xf32, #tpu.memory_space<vmem>>) target(%dma_start3A_360 : memref<10240x72xf32, #tpu.memory_space<vmem_shared>>) offsets(%arg15 : memref<128xi32, #tpu.memory_space<vmem>>) semaphore(%arg23 : memref<!tpu.dma_semaphore, #tpu.memory_space<semaphore_mem>>) {add = true}
      %scan3A_361 = arith.constant 0 : i32
      scf.yield %scan3A_361 : i32
    }
    %scan3A_111 = arith.constant 79 : i32
    %dma_wait3A = arith.constant 0 : i32
    %dma_wait3A_112 = arith.constant 0 : i32
    %dma_wait3A_113 = tpu.memref_slice %arg3[%dma_wait3A, %dma_wait3A_112] : memref<2530x384xi32, #tpu.memory_space<hbm>> -> memref<1x384xi32, #tpu.memory_space<hbm>>
    %dma_wait3A_114 = tpu.memref_squeeze %dma_wait3A_113 : memref<1x384xi32, #tpu.memory_space<hbm>> -> memref<384xi32, #tpu.memory_space<hbm>>
    %dma_wait3A_115 = arith.constant 0 : i32
    %dma_wait3A_116 = tpu.memref_slice %arg3[%dma_wait3A, %dma_wait3A_115] : memref<2530x384xi32, #tpu.memory_space<hbm>> -> memref<1x384xi32, #tpu.memory_space<hbm>>
    %dma_wait3A_117 = tpu.memref_squeeze %dma_wait3A_116 : memref<1x384xi32, #tpu.memory_space<hbm>> -> memref<384xi32, #tpu.memory_space<hbm>>
    tpu.wait_dma2 semaphore(%arg20 : memref<!tpu.dma_semaphore, #tpu.memory_space<semaphore_mem>>) src(%dma_wait3A_117 : memref<384xi32, #tpu.memory_space<hbm>>) dst(%arg12 : memref<384xi32, #tpu.memory_space<vmem>>)
    %dma_wait3A_118 = arith.constant 0 : i32
    %dma_wait3A_119 = arith.constant 0 : i32
    %dma_wait3A_120 = tpu.memref_slice %arg3[%dma_wait3A_118, %dma_wait3A_119] : memref<2530x384xi32, #tpu.memory_space<hbm>> -> memref<1x384xi32, #tpu.memory_space<hbm>>
    %dma_wait3A_121 = tpu.memref_squeeze %dma_wait3A_120 : memref<1x384xi32, #tpu.memory_space<hbm>> -> memref<384xi32, #tpu.memory_space<hbm>>
    %dma_wait3A_122 = arith.constant 0 : i32
    %dma_wait3A_123 = tpu.memref_slice %arg3[%dma_wait3A_118, %dma_wait3A_122] : memref<2530x384xi32, #tpu.memory_space<hbm>> -> memref<1x384xi32, #tpu.memory_space<hbm>>
    %dma_wait3A_124 = tpu.memref_squeeze %dma_wait3A_123 : memref<1x384xi32, #tpu.memory_space<hbm>> -> memref<384xi32, #tpu.memory_space<hbm>>
    tpu.wait_dma2 semaphore(%arg21 : memref<!tpu.dma_semaphore, #tpu.memory_space<semaphore_mem>>) src(%dma_wait3A_124 : memref<384xi32, #tpu.memory_space<hbm>>) dst(%arg13 : memref<384xi32, #tpu.memory_space<vmem>>)
    %dma_wait3A_125 = arith.constant 0 : i32
    %dma_wait3A_126 = arith.constant 0 : i32
    %dma_wait3A_127 = tpu.memref_slice %arg19[%dma_wait3A_125, %dma_wait3A_126] : memref<10240x72xf32, #tpu.memory_space<vmem_shared>> -> memref<10240x72xf32, #tpu.memory_space<vmem_shared>>
    tpu.wait_indirect_dma semaphore(%arg22 : memref<!tpu.dma_semaphore, #tpu.memory_space<semaphore_mem>>) src(%arg16 : memref<128x72xf32, #tpu.memory_space<vmem>>) dst(%dma_wait3A_127 : memref<10240x72xf32, #tpu.memory_space<vmem_shared>>)
    %dma_wait3A_128 = arith.constant 0 : i32
    %dma_wait3A_129 = arith.constant 0 : i32
    %dma_wait3A_130 = tpu.memref_slice %arg19[%dma_wait3A_128, %dma_wait3A_129] : memref<10240x72xf32, #tpu.memory_space<vmem_shared>> -> memref<10240x72xf32, #tpu.memory_space<vmem_shared>>
    tpu.wait_indirect_dma semaphore(%arg23 : memref<!tpu.dma_semaphore, #tpu.memory_space<semaphore_mem>>) src(%arg17 : memref<128x72xf32, #tpu.memory_space<vmem>>) dst(%dma_wait3A_130 : memref<10240x72xf32, #tpu.memory_space<vmem_shared>>)
    %barrier3A_131 = arith.constant 0 : index
    tpu.barrier barrier_id(%barrier3A_131)
    %mul3A_132 = arith.constant 640 : i32
    %mul3A_133 = arith.muli %arg1, %mul3A_132 : i32
    "tpu.region"() ({
      %run_scoped3A = tpu.sem_alloc : memref<!tpu.dma_semaphore, #tpu.memory_space<semaphore_mem>>
      %dma_start3A_136 = arith.constant 0 : i32
      %dma_start3A_137 = tpu.memref_slice %arg19[%mul3A_133, %dma_start3A_136] : memref<10240x72xf32, #tpu.memory_space<vmem_shared>> -> memref<640x72xf32, #tpu.memory_space<vmem_shared>>
      %dma_start3A_138 = arith.constant 0 : i32
      %dma_start3A_139 = tpu.memref_slice %arg19[%mul3A_133, %dma_start3A_138] : memref<10240x72xf32, #tpu.memory_space<vmem_shared>> -> memref<640x72xf32, #tpu.memory_space<vmem_shared>>
      tpu.enqueue_dma source(%dma_start3A_139 : memref<640x72xf32, #tpu.memory_space<vmem_shared>>) target(%arg18 : memref<640x72xf32, #tpu.memory_space<vmem>>) target_semaphore(%run_scoped3A : memref<!tpu.dma_semaphore, #tpu.memory_space<semaphore_mem>>)
      %dma_wait3A_140 = arith.constant 0 : i32
      %dma_wait3A_141 = tpu.memref_slice %arg19[%mul3A_133, %dma_wait3A_140] : memref<10240x72xf32, #tpu.memory_space<vmem_shared>> -> memref<640x72xf32, #tpu.memory_space<vmem_shared>>
      %dma_wait3A_142 = arith.constant 0 : i32
      %dma_wait3A_143 = tpu.memref_slice %arg19[%mul3A_133, %dma_wait3A_142] : memref<10240x72xf32, #tpu.memory_space<vmem_shared>> -> memref<640x72xf32, #tpu.memory_space<vmem_shared>>
      tpu.wait_dma2 semaphore(%run_scoped3A : memref<!tpu.dma_semaphore, #tpu.memory_space<semaphore_mem>>) src(%dma_wait3A_143 : memref<640x72xf32, #tpu.memory_space<vmem_shared>>) dst(%arg18 : memref<640x72xf32, #tpu.memory_space<vmem>>)
      tpu.yield
    }) : () -> ()
    %mul3A_134 = arith.constant 640 : i32
    %mul3A_135 = arith.muli %arg1, %mul3A_134 : i32
    "tpu.region"() ({
      %run_scoped3A = tpu.sem_alloc : memref<!tpu.dma_semaphore, #tpu.memory_space<semaphore_mem>>
      %dma_start3A_136 = arith.constant 0 : i32
      %dma_start3A_137 = tpu.memref_slice %arg7[%arg0, %mul3A_135, %dma_start3A_136] : memref<2x10240x72xf32, #tpu.memory_space<hbm>> -> memref<1x640x72xf32, #tpu.memory_space<hbm>>
      %dma_start3A_138 = tpu.memref_squeeze %dma_start3A_137 : memref<1x640x72xf32, #tpu.memory_space<hbm>> -> memref<640x72xf32, #tpu.memory_space<hbm>>
      %dma_start3A_139 = arith.constant 0 : i32
      %dma_start3A_140 = tpu.memref_slice %arg7[%arg0, %mul3A_135, %dma_start3A_139] : memref<2x10240x72xf32, #tpu.memory_space<hbm>> -> memref<1x640x72xf32, #tpu.memory_space<hbm>>
      %dma_start3A_141 = tpu.memref_squeeze %dma_start3A_140 : memref<1x640x72xf32, #tpu.memory_space<hbm>> -> memref<640x72xf32, #tpu.memory_space<hbm>>
      tpu.enqueue_dma source(%arg18 : memref<640x72xf32, #tpu.memory_space<vmem>>) target(%dma_start3A_141 : memref<640x72xf32, #tpu.memory_space<hbm>>) target_semaphore(%run_scoped3A : memref<!tpu.dma_semaphore, #tpu.memory_space<semaphore_mem>>)
      %dma_wait3A_142 = arith.constant 0 : i32
      %dma_wait3A_143 = tpu.memref_slice %arg7[%arg0, %mul3A_135, %dma_wait3A_142] : memref<2x10240x72xf32, #tpu.memory_space<hbm>> -> memref<1x640x72xf32, #tpu.memory_space<hbm>>
      %dma_wait3A_144 = tpu.memref_squeeze %dma_wait3A_143 : memref<1x640x72xf32, #tpu.memory_space<hbm>> -> memref<640x72xf32, #tpu.memory_space<hbm>>
      %dma_wait3A_145 = arith.constant 0 : i32
      %dma_wait3A_146 = tpu.memref_slice %arg7[%arg0, %mul3A_135, %dma_wait3A_145] : memref<2x10240x72xf32, #tpu.memory_space<hbm>> -> memref<1x640x72xf32, #tpu.memory_space<hbm>>
      %dma_wait3A_147 = tpu.memref_squeeze %dma_wait3A_146 : memref<1x640x72xf32, #tpu.memory_space<hbm>> -> memref<640x72xf32, #tpu.memory_space<hbm>>
      tpu.wait_dma2 semaphore(%run_scoped3A : memref<!tpu.dma_semaphore, #tpu.memory_space<semaphore_mem>>) src(%arg18 : memref<640x72xf32, #tpu.memory_space<vmem>>) dst(%dma_wait3A_147 : memref<640x72xf32, #tpu.memory_space<hbm>>)
      tpu.yield
    }) : () -> ()
    return
  }
}

module attributes {stable_mosaic.version = 14 : i64} {
  func.func @_rate_body(%arg0: i32, %arg1: memref<2x2048x72xf32, #tpu.memory_space<vmem>>, %arg2: memref<128x128xf32, #tpu.memory_space<vmem>>, %arg3: memref<1x128xf32, #tpu.memory_space<vmem>>, %arg4: memref<128x128xf32, #tpu.memory_space<vmem>>, %arg5: memref<1x128xf32, #tpu.memory_space<vmem>>, %arg6: memref<128x1xf32, #tpu.memory_space<vmem>>, %arg7: memref<1x1xf32, #tpu.memory_space<vmem>>, %arg8: memref<2048x1xf32, #tpu.memory_space<vmem>>) attributes {dimension_semantics = [#tpu.dimension_semantics<arbitrary>], iteration_bounds = array<i64: 5>, scalar_prefetch = 0 : i64, scratch_operands = 0 : i64, tpu.core_type = #tpu.core_type<tc>, window_params = [{transform_indices = @transform_0, window_bounds = array<i64: 2, 2048, 72>}, {pipeline_mode = #tpu.pipeline_mode<synchronous>, transform_indices = @transform_1, window_bounds = array<i64: 128, 128>}, {pipeline_mode = #tpu.pipeline_mode<synchronous>, transform_indices = @transform_2, window_bounds = array<i64: 1, 128>}, {pipeline_mode = #tpu.pipeline_mode<synchronous>, transform_indices = @transform_3, window_bounds = array<i64: 128, 128>}, {pipeline_mode = #tpu.pipeline_mode<synchronous>, transform_indices = @transform_4, window_bounds = array<i64: 1, 128>}, {pipeline_mode = #tpu.pipeline_mode<synchronous>, transform_indices = @transform_5, window_bounds = array<i64: 128, 1>}, {pipeline_mode = #tpu.pipeline_mode<synchronous>, transform_indices = @transform_6, window_bounds = array<i64: 1, 1>}, {transform_indices = @transform_7, window_bounds = array<i64: 2048, 1>}]} {
    %get3A = arith.constant 0 : index
    %get3A_0 = arith.constant 0 : index
    %get3A_1 = arith.constant 0 : index
    %get3A_2 = vector.load %arg1[%get3A, %get3A_0, %get3A_1] : memref<2x2048x72xf32, #tpu.memory_space<vmem>>, vector<1x2048x72xf32>
    %get3A_3 = vector.shape_cast %get3A_2 : vector<1x2048x72xf32> to vector<2048x72xf32>
    %get3A_4 = arith.constant 1 : index
    %get3A_5 = arith.constant 0 : index
    %get3A_6 = arith.constant 0 : index
    %get3A_7 = vector.load %arg1[%get3A_4, %get3A_5, %get3A_6] : memref<2x2048x72xf32, #tpu.memory_space<vmem>>, vector<1x2048x72xf32>
    %get3A_8 = vector.shape_cast %get3A_7 : vector<1x2048x72xf32> to vector<2048x72xf32>
    %slice3A = vector.extract_strided_slice %get3A_3 {offsets = [0, 64], sizes = [2048, 1], strides = [1, 1]} : vector<2048x72xf32> to vector<2048x1xf32>
    %get3A_9 = arith.constant 0 : index
    %get3A_10 = arith.constant 0 : index
    %get3A_11 = vector.load %arg2[%get3A_9, %get3A_10] : memref<128x128xf32, #tpu.memory_space<vmem>>, vector<128x128xf32>
    %get3A_12 = arith.constant 0 : index
    %get3A_13 = arith.constant 0 : index
    %get3A_14 = vector.load %arg4[%get3A_12, %get3A_13] : memref<128x128xf32, #tpu.memory_space<vmem>>, vector<128x128xf32>
    %dot_general3A = arith.constant dense<0.000000e+00> : vector<128x128xf32>
    %dot_general3A_15 = tpu.matmul %get3A_11, %get3A_14, %dot_general3A {dimension_numbers = #tpu.dot_dimension_numbers<[1], [0], [0], [1], [0, 0, 1, 1], [], []>, transpose_lhs_hint = false} : vector<128x128xf32>, vector<128x128xf32>, vector<128x128xf32> -> vector<128x128xf32>
    %get3A_16 = arith.constant 0 : index
    %get3A_17 = arith.constant 0 : index
    %get3A_18 = vector.load %arg3[%get3A_16, %get3A_17] : memref<1x128xf32, #tpu.memory_space<vmem>>, vector<1x128xf32>
    %get3A_19 = arith.constant 0 : index
    %get3A_20 = arith.constant 0 : index
    %get3A_21 = vector.load %arg4[%get3A_19, %get3A_20] : memref<128x128xf32, #tpu.memory_space<vmem>>, vector<128x128xf32>
    %dot_general3A_22 = arith.constant dense<0.000000e+00> : vector<1x128xf32>
    %dot_general3A_23 = tpu.matmul %get3A_18, %get3A_21, %dot_general3A_22 {dimension_numbers = #tpu.dot_dimension_numbers<[1], [0], [0], [1], [0, 0, 1, 1], [], []>, transpose_lhs_hint = false} : vector<1x128xf32>, vector<128x128xf32>, vector<1x128xf32> -> vector<1x128xf32>
    %get3A_24 = arith.constant 0 : index
    %get3A_25 = arith.constant 0 : index
    %get3A_26 = vector.load %arg5[%get3A_24, %get3A_25] : memref<1x128xf32, #tpu.memory_space<vmem>>, vector<1x128xf32>
    %add3A = arith.addf %dot_general3A_23, %get3A_26 : vector<1x128xf32>
    %slice3A_27 = vector.extract_strided_slice %get3A_3 {offsets = [0, 0], sizes = [2048, 64], strides = [1, 1]} : vector<2048x72xf32> to vector<2048x64xf32>
    %slice3A_28 = vector.extract_strided_slice %dot_general3A_15 {offsets = [0, 0], sizes = [64, 128], strides = [1, 1]} : vector<128x128xf32> to vector<64x128xf32>
    %dot_general3A_29 = arith.constant dense<0.000000e+00> : vector<2048x128xf32>
    %dot_general3A_30 = tpu.matmul %slice3A_27, %slice3A_28, %dot_general3A_29 {dimension_numbers = #tpu.dot_dimension_numbers<[1], [0], [0], [1], [0, 0, 1, 1], [], []>, transpose_lhs_hint = false} : vector<2048x64xf32>, vector<64x128xf32>, vector<2048x128xf32> -> vector<2048x128xf32>
    %slice3A_31 = vector.extract_strided_slice %get3A_8 {offsets = [0, 0], sizes = [2048, 64], strides = [1, 1]} : vector<2048x72xf32> to vector<2048x64xf32>
    %slice3A_32 = vector.extract_strided_slice %dot_general3A_15 {offsets = [64, 0], sizes = [64, 128], strides = [1, 1]} : vector<128x128xf32> to vector<64x128xf32>
    %dot_general3A_33 = arith.constant dense<0.000000e+00> : vector<2048x128xf32>
    %dot_general3A_34 = tpu.matmul %slice3A_31, %slice3A_32, %dot_general3A_33 {dimension_numbers = #tpu.dot_dimension_numbers<[1], [0], [0], [1], [0, 0, 1, 1], [], []>, transpose_lhs_hint = false} : vector<2048x64xf32>, vector<64x128xf32>, vector<2048x128xf32> -> vector<2048x128xf32>
    %add3A_35 = arith.addf %dot_general3A_30, %dot_general3A_34 : vector<2048x128xf32>
    %mul3A = vector.broadcast %slice3A : vector<2048x1xf32> to vector<2048x128xf32>
    %mul3A_36 = vector.broadcast %add3A : vector<1x128xf32> to vector<2048x128xf32>
    %mul3A_37 = arith.mulf %mul3A, %mul3A_36 : vector<2048x128xf32>
    %add3A_38 = arith.addf %add3A_35, %mul3A_37 : vector<2048x128xf32>
    %tanh3A = math.tanh %add3A_38 : vector<2048x128xf32>
    %get3A_39 = arith.constant 0 : index
    %get3A_40 = arith.constant 0 : index
    %get3A_41 = vector.load %arg6[%get3A_39, %get3A_40] : memref<128x1xf32, #tpu.memory_space<vmem>>, vector<128x1xf32>
    %dot_general3A_42 = arith.constant dense<0.000000e+00> : vector<2048x1xf32>
    %dot_general3A_43 = tpu.matmul %tanh3A, %get3A_41, %dot_general3A_42 {dimension_numbers = #tpu.dot_dimension_numbers<[1], [0], [0], [1], [0, 0, 1, 1], [], []>, transpose_lhs_hint = false} : vector<2048x128xf32>, vector<128x1xf32>, vector<2048x1xf32> -> vector<2048x1xf32>
    %get3A_44 = arith.constant 0 : index
    %get3A_45 = arith.constant 0 : index
    %get3A_46 = vector.load %arg7[%get3A_44, %get3A_45] : memref<1x1xf32, #tpu.memory_space<vmem>>, vector<1x1xf32>
    %add3A_47 = vector.broadcast %get3A_46 : vector<1x1xf32> to vector<2048x1xf32>
    %add3A_48 = arith.addf %dot_general3A_43, %add3A_47 : vector<2048x1xf32>
    %max3A = arith.constant 0.000000e+00 : f32
    %max3A_49 = vector.broadcast %max3A : f32 to vector<2048x1xf32>
    %max3A_50 = arith.maximumf %add3A_48, %max3A_49 : vector<2048x1xf32>
    %abs3A = math.absf %add3A_48 : vector<2048x1xf32>
    %neg3A = arith.constant 0.000000e+00 : f32
    %neg3A_51 = vector.broadcast %neg3A : f32 to vector<2048x1xf32>
    %neg3A_52 = arith.subf %neg3A_51, %abs3A : vector<2048x1xf32>
    %exp3A = math.exp %neg3A_52 : vector<2048x1xf32>
    %log1p3A = math.log1p %exp3A : vector<2048x1xf32>
    %add3A_53 = arith.addf %max3A_50, %log1p3A : vector<2048x1xf32>
    %swap3A = arith.constant 0 : index
    %swap3A_54 = arith.constant 0 : index
    %swap3A_55 = vector.load %arg8[%swap3A, %swap3A_54] : memref<2048x1xf32, #tpu.memory_space<vmem>>, vector<2048x1xf32>
    tpu.vector_store %arg8[%swap3A, %swap3A_54], %add3A_53 {strides = array<i32>} : memref<2048x1xf32, #tpu.memory_space<vmem>>, vector<2048x1xf32>,
    return
  }
  func.func @transform_0(%arg0: i32) -> (i32, i32, i32) {
    %c0_i32 = arith.constant 0 : i32
    %c0_i32_0 = arith.constant 0 : i32
    %c0_i32_1 = arith.constant 0 : i32
    return %c0_i32, %arg0, %c0_i32_0 : i32, i32, i32
  }
  func.func @transform_1(%arg0: i32) -> (i32, i32) {
    %c0_i32 = arith.constant 0 : i32
    %c0_i32_0 = arith.constant 0 : i32
    %c0_i32_1 = arith.constant 0 : i32
    return %c0_i32, %c0_i32_0 : i32, i32
  }
  func.func @transform_2(%arg0: i32) -> (i32, i32) {
    %c0_i32 = arith.constant 0 : i32
    %c0_i32_0 = arith.constant 0 : i32
    %c0_i32_1 = arith.constant 0 : i32
    return %c0_i32, %c0_i32_0 : i32, i32
  }
  func.func @transform_3(%arg0: i32) -> (i32, i32) {
    %c0_i32 = arith.constant 0 : i32
    %c0_i32_0 = arith.constant 0 : i32
    %c0_i32_1 = arith.constant 0 : i32
    return %c0_i32, %c0_i32_0 : i32, i32
  }
  func.func @transform_4(%arg0: i32) -> (i32, i32) {
    %c0_i32 = arith.constant 0 : i32
    %c0_i32_0 = arith.constant 0 : i32
    %c0_i32_1 = arith.constant 0 : i32
    return %c0_i32, %c0_i32_0 : i32, i32
  }
  func.func @transform_5(%arg0: i32) -> (i32, i32) {
    %c0_i32 = arith.constant 0 : i32
    %c0_i32_0 = arith.constant 0 : i32
    %c0_i32_1 = arith.constant 0 : i32
    return %c0_i32, %c0_i32_0 : i32, i32
  }
  func.func @transform_6(%arg0: i32) -> (i32, i32) {
    %c0_i32 = arith.constant 0 : i32
    %c0_i32_0 = arith.constant 0 : i32
    %c0_i32_1 = arith.constant 0 : i32
    return %c0_i32, %c0_i32_0 : i32, i32
  }
  func.func @transform_7(%arg0: i32) -> (i32, i32) {
    %c0_i32 = arith.constant 0 : i32
    %c0_i32_0 = arith.constant 0 : i32
    return %arg0, %c0_i32 : i32, i32
  }
}

module attributes {stable_mosaic.version = 14 : i64} {
  func.func @_red_body(%arg0: i32, %arg1: memref<32x10240xf32, #tpu.memory_space<vmem>>, %arg2: memref<1x10240xf32, #tpu.memory_space<vmem>>) attributes {dimension_semantics = [#tpu.dimension_semantics<arbitrary>], iteration_bounds = array<i64: 1>, scalar_prefetch = 0 : i64, scratch_operands = 0 : i64, tpu.core_type = #tpu.core_type<tc>, window_params = [{pipeline_mode = #tpu.pipeline_mode<synchronous>, transform_indices = @transform_0, window_bounds = array<i64: 32, 10240>}, {pipeline_mode = #tpu.pipeline_mode<synchronous>, transform_indices = @transform_1, window_bounds = array<i64: 1, 10240>}]} {
    %get3A = arith.constant 0 : index
    %get3A_0 = arith.constant 0 : index
    %get3A_1 = vector.load %arg1[%get3A, %get3A_0] : memref<32x10240xf32, #tpu.memory_space<vmem>>, vector<32x10240xf32>
    %reduce_sum3A = arith.constant dense<0.000000e+00> : vector<10240xf32>
    %reduce_sum3A_2 = vector.multi_reduction <add>, %get3A_1, %reduce_sum3A [0] : vector<32x10240xf32> to vector<10240xf32>
    %broadcast_in_dim3A = vector.shape_cast %reduce_sum3A_2 : vector<10240xf32> to vector<1x10240xf32>
    %swap3A = arith.constant 0 : index
    %swap3A_3 = arith.constant 0 : index
    %swap3A_4 = vector.load %arg2[%swap3A, %swap3A_3] : memref<1x10240xf32, #tpu.memory_space<vmem>>, vector<1x10240xf32>
    tpu.vector_store %arg2[%swap3A, %swap3A_3], %broadcast_in_dim3A {strides = array<i32>} : memref<1x10240xf32, #tpu.memory_space<vmem>>, vector<1x10240xf32>,
    return
  }
  func.func @transform_0(%arg0: i32) -> (i32, i32) {
    %c0_i32 = arith.constant 0 : i32
    %c0_i32_0 = arith.constant 0 : i32
    %c0_i32_1 = arith.constant 0 : i32
    return %c0_i32, %c0_i32_0 : i32, i32
  }
  func.func @transform_1(%arg0: i32) -> (i32, i32) {
    %c0_i32 = arith.constant 0 : i32
    %c0_i32_0 = arith.constant 0 : i32
    %c0_i32_1 = arith.constant 0 : i32
    return %c0_i32, %c0_i32_0 : i32, i32
  }
}

</mosaic_0001>

<sc_bundles>
// kernel: kernel.6.cloned.1.call-start
scs
__scs_entry_jumppad:
0x0: {  	(pc) =	sbr.rel $0x88, $3  }
0x1: {  	(tag) =	ssettag $0x0;
	lr =	simm.s32 $0x1  }
0x2: {  	[smem:$0x3F92] =	sst lr;
	_ =	strace $0xD0000000  }
0x3: {  	_ = 	snop  }
0x4: {  	_ = 	snop  }
0x5: {  	_ = 	snop  }
0x6: {  	_ = 	snop  }
0x7: {  	_ = 	snop  }
__scs_overlays_trampoline_lowered:
0x8: {  	[smem:$0x3FA1] =	sst s0  }
0x9: {  	[smem:$0x3FA2] =	sst s1  }
0xa: {  	[smem:$0x3FA3] =	sst s2  }
0xb: {  	[smem:$0x3FA4] =	sst s3  }
0xc: {  	[smem:$0x3FA5] =	sst s4  }
0xd: {  	[smem:$0x3FA6] =	sst s5  }
0xe: {  	[smem:$0x3FA7] =	sst s6  }
0xf: {  	[smem:$0x3FA8] =	sst s7  }
0x10: {  	[smem:$0x3FA9] =	sst s8  }
0x11: {  	[smem:$0x3FAA] =	sst s9;
	s0 =	simm.s32 @!p0 $0x0  }
0x12: {  	s1 =	sld [smem:$0x3F90];
	s0 =	simm.s32 @p0 $0x1  }
0x13: {  	[smem:$0x3FAB] =	sst s0;
	s0 =	simm.s32 @!p1 $0x0  }
0x14: {  	s2 =	sld [smem:$0x3F8F];
	s0 =	simm.s32 @p1 $0x1  }
0x15: {  	[smem:$0x3FAC] =	sst s0;
	s0 =	simm.s32 @!p2 $0x0  }
0x16: {  	s3 =	sld [smem:$0x3FDB];
	s0 =	simm.s32 @p2 $0x1  }
0x17: {  	s4 =	simm.s32 $0x1BF5;
	[smem:$0x3FAE] =	sst s0  }
0x18: {  	s0 =	sld [smem:$0x3F91];
	_ =	swait.ge [sflag:s4], $0x0  }
0x19: {  	s7 =	sld [smem:$0x3F92]  }
0x1a: {  	s8 =	sadd.s32 $0xFFFFE003, lr  }
0x1b: {  	s9 =	sadd.s32 $0xFFFFFEF7, lr;
	s5 =	simm.s32 $0xFFFFFFFF;
	p2 =	slt.u32 s8, $0xFFFFF086  }
0x1c: {  	p1 =	slt.u32 s9, $0xF7A;
	s5 =	simm.s32 @!p2 $0x0  }
0x1d: {  	s5 =	simm.s32 @p1 $0x1;
	p0 =	seq.s32 s7, s2  }
0x1e: {  	s7 =	smul.u32 @!p0 $0xF7A, s2;
	p2 =	seq.s32 @!p0 s5, $0x0  }
0x1f: {  	s9 =	smul.u32 $0xF7A, s1;
	s8 =	simm.s32 @!p0 $0x1BF5;
	p2 =	por !p2, p0  }
0x20: {  	[sflag:s8] =	ssyncset.s32 @!p0 $0xFFFFF086;
	s6 =	sadd.s32 @!p0 s3, s7;
	s7 =	simm.s32 @!p0 $0x108  }
0x21: {  	s3 =	sadd.s32 s3, s9;
	s6 =	sadd.s32 @!p0 $0x88, s6;
	s7 =	simm.s32 @p2 $0x1082  }
0x22: {  	[simem:s7], [sflag:s8] =	dma.local @!p0 [hbm:s6], $0xF7A  }
0x23: {  	s9 =	sor.u32 $0xD0000000, s2;
	s6 =	simm.s32 $0x108;
	_ =	swait.ge @!p0 [sflag:s8], $0x0  }
0x24: {  	s3 =	sadd.s32 $0x88, s3;
	s6 =	simm.s32 @!p1 $0x1082;
	[sflag:s4] =	ssyncset.s32 $0xFFFFF086  }
0x25: {  	[simem:s6], [sflag:s4] =	dma.local [hbm:s3], $0xF7A  }
0x26: {  	[smem:$0x3F92] =	sst s1;
	(tag) =	ssettag s2;
	_ =	strace s9  }
0x27: {  	s1 =	sld [smem:$0x3FA2]  }
0x28: {  	s2 =	sld [smem:$0x3FA3]  }
0x29: {  	s4 =	sld [smem:$0x3FA5]  }
0x2a: {  	p0 =	seq.s32 s5, $0x0;
	s5 =	sld [smem:$0x3FA6]  }
0x2b: {  	s6 =	sld [smem:$0x3FA7]  }
0x2c: {  	s7 =	sld [smem:$0x3FA8]  }
0x2d: {  	s3 =	simm.s32 $0x108;
	s8 =	sld [smem:$0x3FA9]  }
0x2e: {  	s3 =	simm.s32 @!p0 $0x1082;
	s9 =	sld [smem:$0x3FAA]  }
0x2f: {  	lr =	sadd.s32 s0, s3;
	s0 =	sld [smem:$0x3FA1]  }
0x30: {  	s3 =	sld [smem:$0x3FA4]  }
0x31: {  	[smem:$0x3FAD] =	sst s10  }
0x32: {  	s10 =	sld [smem:$0x3FAB];
	_ =	sdelay $0x3  }
0x33: {  	p0 =	seq.s32 s10, $0x1;
	s10 =	sld [smem:$0x3FAD];
	_ =	sdelay $0x3  }
0x34: {  	[smem:$0x3FAD] =	sst s10  }
0x35: {  	s10 =	sld [smem:$0x3FAC];
	_ =	sdelay $0x3  }
0x36: {  	p1 =	seq.s32 s10, $0x1;
	s10 =	sld [smem:$0x3FAD];
	_ =	sdelay $0x3  }
0x37: {  	[smem:$0x3FAD] =	sst s10  }
0x38: {  	s10 =	sld [smem:$0x3FAE]  }
0x39: {  	_ = 	snop;
	(pc) =	sbr.ind lr, $3  }
0x3a: {  	_ = 	snop  }
0x3b: {  	_ = 	snop  }
0x3c: {  	p2 =	seq.s32 s10, $0x1;
	s10 =	sld [smem:$0x3FAD]  }
0x3d: {  	_ =	shalt  }
0x3e: {  	_ =	shalt  }
0x3f: {  	_ =	shalt  }
0x40: {  	_ =	shalt  }
0x41: {  	_ =	shalt  }
0x42: {  	_ =	shalt  }
0x43: {  	_ =	shalt  }
0x44: {  	_ =	shalt  }
0x45: {  	_ =	shalt  }
0x46: {  	_ =	shalt  }
0x47: {  	_ =	shalt  }
0x48: {  	_ =	shalt  }
0x49: {  	_ =	shalt  }
0x4a: {  	_ =	shalt  }
0x4b: {  	_ =	shalt  }
0x4c: {  	_ =	shalt  }
0x4d: {  	_ =	shalt  }
0x4e: {  	_ =	shalt  }
0x4f: {  	_ =	shalt  }
0x50: {  	_ =	shalt  }
0x51: {  	_ =	shalt  }
0x52: {  	_ =	shalt  }
0x53: {  	_ =	shalt  }
0x54: {  	_ =	shalt  }
0x55: {  	_ =	shalt  }
0x56: {  	_ =	shalt  }
0x57: {  	_ =	shalt  }
0x58: {  	_ =	shalt  }
0x59: {  	_ =	shalt  }
0x5a: {  	_ =	shalt  }
0x5b: {  	_ =	shalt  }
0x5c: {  	_ =	shalt  }
0x5d: {  	_ =	shalt  }
0x5e: {  	_ =	shalt  }
0x5f: {  	_ =	shalt  }
0x60: {  	_ =	shalt  }
0x61: {  	_ =	shalt  }
0x62: {  	_ =	shalt  }
0x63: {  	_ =	shalt  }
0x64: {  	_ =	shalt  }
0x65: {  	_ =	shalt  }
0x66: {  	_ =	shalt  }
0x67: {  	_ =	shalt  }
0x68: {  	_ =	shalt  }
0x69: {  	_ =	shalt  }
0x6a: {  	_ =	shalt  }
0x6b: {  	_ =	shalt  }
0x6c: {  	_ =	shalt  }
0x6d: {  	_ =	shalt  }
0x6e: {  	_ =	shalt  }
0x6f: {  	_ =	shalt  }
0x70: {  	_ =	shalt  }
0x71: {  	_ =	shalt  }
0x72: {  	_ =	shalt  }
0x73: {  	_ =	shalt  }
0x74: {  	_ =	shalt  }
0x75: {  	_ =	shalt  }
0x76: {  	_ =	shalt  }
0x77: {  	_ =	shalt  }
0x78: {  	_ =	shalt  }
0x79: {  	_ =	shalt  }
0x7a: {  	_ =	shalt  }
0x7b: {  	_ =	shalt  }
0x7c: {  	_ =	shalt  }
0x7d: {  	_ =	shalt  }
0x7e: {  	_ =	shalt  }
0x7f: {  	_ =	shalt  }
0x80: {  	_ =	shalt  }
0x81: {  	_ =	shalt  }
0x82: {  	_ =	shalt  }
0x83: {  	_ =	shalt  }
0x84: {  	_ =	shalt  }
0x85: {  	_ =	shalt  }
0x86: {  	_ =	shalt  }
0x87: {  	_ =	shalt  }
.Lfunc_end0:
.L_simem_size_0:
called_computation_lowered:
.L_overlay_start_0:
0x88: {  	s2 =	sld [smem:$0x3FD9]  }
0x89: {  	s3 =	sld [smem:$0x3FFE];
	_ =	sdelay $0x1  }
0x8a: {  	s1 =	srdreg.scid  }
0x8b: {  	s0 =	sand.u32 $0x1, s1  }
0x8c: {  	s17 =	sshll.u32 s0, $0xA;
	s2 =	sadd.s32 s3, s2  }
0x8d: {  	s2 =	sadd.s32 s2, s17  }
0x8e: {  	[smem:$0x3FB9] =	sst s2  }
0x8f: {  	_ = 	snop  }
0x90: {  	s2 =	sld [smem:$0x3FD0];
	(tm) =	ssettm $0x1  }
0x91: {  	s18 =	sld [smem:$0x3FFB];
	_ =	sdelay $0x3  }
0x92: {  	_ =	strace s18  }
0x93: {  	s3 =	sld [smem:$0x3FFC];
	_ =	sdelay $0x3  }
0x94: {  	_ =	strace s3  }
0x95: {  	s3 =	sld [smem:$0x3FFD];
	_ =	sdelay $0x3  }
0x96: {  	_ =	strace s3  }
0x97: {  	_ =	strace $0x8FFFFFFF  }
0x98: {  	s19 =	sld [smem:$0x3FDB];
	_ =	sdelay $0x1  }
0x99: {  	s4 =	simm.s32 $_scs_section_size  }
0x9a: {  	s5 =	simm.s32 $_size__tile_overlayer_lowered;
	s6 =	simm.s32 $_tile_overlayer_lowered  }
0x9b: {  	s22 =	simm.s32 $0x1BFF;
	s21 =	sshll.u32 s6, $0x1;
	s3 =	sadd.s32 s4, s19  }
0x9c: {  	s7 =	simm.s32 $0x0;
	s20 =	sshll.u32 s5, $0x1;
	s5 =	sadd.s32 s21, s3  }
0x9d: {  	[timem:s7], [sflag:s22] =	dma.local [hbm:s5], s20  }
0x9e: {  	_ =	swait.ge [sflag:s22], s20  }
0x9f: {  	s4 =	ssub.s32 $0x0, s20;
	[sflag:s22] =	ssyncset.done $0x0  }
0xa0: {  	[sflag:s22] =	ssyncadd.s32 s4;
	_ =	sdelay $0x1  }
0xa1: {  	s23 =	simm.s32 $0x1B8B  }
0xa2: {  	_ =	swait.ge [sflag:s23], $0x1  }
0xa3: {  	[sflag:s23] =	ssyncset.done $0x0  }
0xa4: {  	s25 =	simm.s32 $0x1B8E;
	s24 =	sld [smem:$0x3FFE];
	[sflag:s23] =	ssyncadd.s32 $0xFFFFFFFF  }
0xa5: {  	s26 =	simm.s32 $execute0_lowered;
	[smem:$0x3FD2] =	sst s25  }
0xa6: {  	s5 =	sshll.u32 s26, $0x1;
	_ =	strace $0x80000046;
	[dreg:$0x1] =	wrdreg $0xFFFFFFFF  }
0xa7: {  	s28 =	simm.s32 $_size_execute0_lowered;
	s3 =	sadd.s32 s3, s5;
	[dreg:$0x0] =	wrdreg $0x0  }
0xa8: {  	s5 =	sshll.u32 s28, $0x1;
	[dreg:$0x2] =	wrdreg s3  }
0xa9: {  	[dreg:$0x3] =	wrdreg s5  }
0xaa: {  	[dreg:$0x4] =	wrdreg $0xC0  }
0xab: {  	_ =	task [dreg:s7], $0x5FFFF  }
0xac: {  	[dreg:$0x1] =	wrdreg $0xFFFFFFFF  }
0xad: {  	[dreg:$0x0] =	wrdreg $0x60  }
0xae: {  	[dreg:$0x2] =	wrdreg s24  }
0xaf: {  	[dreg:$0x3] =	wrdreg s2  }
0xb0: {  	[dreg:$0x4] =	wrdreg $0x13F100  }
0xb1: {  	[dreg:$0x5] =	wrdreg $0x9  }
0xb2: {  	_ =	task.clear_ibuf [dreg:s7], $0x6FFFF;
	_ =	strace $0x90000046  }
0xb3: {  	s29 =	simm.s32 $0x9;
	_ =	strace $0x80000048  }
0xb4: {  	_ =	swait.ge [sflag:s29], $0x1  }
0xb5: {  	[sflag:s29] =	ssyncadd.s32 $0xFFFFFFFF  }
0xb6: {  	_ =	strace $0x90000048  }
0xb7: {  	_ =	sfence  }
0xb8: {  	s30 =	sld [smem:$0x0];
	_ =	sdelay $0x2  }
0xb9: {  	s31 =	sshll.u32 s1, $0xD;
	s1 =	sshrl.u32 s1, $0x2  }
0xba: {  	s3 =	sand.u32 $0x4000, s31;
	s1 =	sadd.s32 s1, s30  }
0xbb: {  	s0 =	sor.u32 s3, s0;
	s1 =	sshll.u32 s1, $0x11  }
0xbc: {  	s0 =	sor.u32 s1, s0  }
0xbd: {  	s0 =	sadd.s32 $0x8F2B, s0  }
0xbe: {  	[sflag:s0] =	ssyncadd.remote.s32 $0x1  }
0xbf: {  	_ =	sfence.sel $0xFFFF  }
0xc0: {  	[dreg:$0x0] =	wrdreg $0xFFFFFFFF;
	(pc) =	sbr.abs _section_cstart, $3  }
0xc1: {  	[dreg:$0x1] =	wrdreg $0xFFFFFFFF  }
0xc2: {  	_ =	task.clear_ibuf [dreg:s7], $0x2FFFF;
	_ =	strace $0x9FFFFFFF  }
0xc3: {  	(tm) =	ssettm $0x7FFFFFFF  }
tec
execute0_lowered:
.L_overlay_start_1:
0x0: {  	(tag) =	ssettag $0x1  }
0x1: {  	s0 =	rddreg [dreg:$0x0]  }
0x2: {  	s3 =	rddreg [dreg:$0x2];
	s1 =	srdreg.scid  }
0x3: {  	s9 =	stileid.u32;
	s4 =	simm.s32 $0x0;
	s19 =	simm.s32 $0x5  }
0x4: {  	s28 =	simm.s32 $0x4090;
	s29 =	simm.s32 $0x1;
	s30 =	simm.s32 $0x80  }
0x5: {  	s31 =	simm.s32 $0x4210;
	s1 =	sand.u32 $0x1, s1;
	s2 =	smul.u32 $0xB400, s9  }
0x6: {  	[smem:$0x7FF] =	sst s4;
	s6 =	sadd.s32 $0x1FA00, s0;
	s20 =	smul.u32 $0xED00, s9  }
0x7: {  	s7 =	sadd.s32 $0x1F600, s0;
	s8 =	sadd.s32 $0x1F800, s0;
	s11 =	smul.u32 $0x1DA0, s9  }
0x8: {  	s9 =	smul.u32 $0x9E, s9;
	_ =	strace $0x80000047;
	[dreg:$0x4] =	wrdreg s6  }
0x9: {  	s5 =	smul.u32 $0xB4000, s1;
	s6 =	sadd.s32 $0x1A00, s0;
	[dreg:$0x5] =	wrdreg s7  }
0xa: {  	[dreg:$0x6] =	wrdreg s8;
	s21 =	ssub.s32 $0x2, s1;
	s25 =	sshll.u32 s1, $0xA  }
0xb: {  	s1 =	simm.s32 $0x4290;
	s22 =	sshrl.u32 s21, $0x1;
	s7 =	sshrl.u32 s20, $0x3  }
0xc: {  	s10 =	sadd.s32 s2, s3;
	s23 =	sadd.s32 s6, s11;
	s13 =	sor.u32 $0x1, s9  }
0xd: {  	v0 =	vlaneseq.u32;
	s11 =	sadd.s32 $0x2710, s25;
	s12 =	sadd.s32 $0x2F10, s25;
	s14 =	sadd.s32 $0x3710, s25  }
0xe: {  	v0 =	vmul.u32 $0x48, v0;
	s25 =	simm.s32 $0x6710;
	s20 =	simm.s32 $0x4;
	s5 =	sadd.s32 s2, s5  }
0xf: {  	v1 =	vimm.f32 $0.0e+00;
	v3 =	vimm.f32 $1.000000000e+00;
	s7 =	sadd.s32 s6, s7;
	[dreg:$0x7] =	wrdreg s23;
	s23 =	simm.s32 $0x8B10  }
0x10: {  	v2 =	vadd.s32 $0x40, v0;
	v4 =	vadd.s32 $0x4C0, v0;
	v5 =	vadd.s32 $0x940, v0;
	s2 =	simm.s32 $0x3;
	s5 =	sshrl.u32 s5, $0x3;
	s24 =	sadd.s32 $0x30, s7  }
0x11: {  	v6 =	vadd.s32 $0xDC0, v0;
	v7 =	vadd.s32 $0x1240, v0;
	v8 =	vadd.s32 $0x16C0, v0;
	s0 =	sadd.s32 s5, s0;
	s5 =	ssub.s32 s21, s22;
	[dreg:$0x8] =	wrdreg s24  }
0x12: {  	v9 =	vadd.s32 $0x1B40, v0;
	v10 =	vadd.s32 $0x1FC0, v0;
	v11 =	vadd.s32 $0x480, v0;
	s24 =	simm.s32 $0x4310;
	s21 =	simm.s32 $0x0;
	s0 =	sadd.s32 $0x20000, s0  }
0x13: {  	v12 =	vadd.s32 $0x900, v0;
	v13 =	vadd.s32 $0xD80, v0;
	v14 =	vadd.s32 $0x1200, v0;
	s22 =	simm.s32 $0x0;
	s26 =	smax.u32 s5, $0x1;
	[dreg:$0x9] =	wrdreg s0  }
0x14: {  	v15 =	vadd.s32 $0x1680, v0;
	v16 =	vadd.s32 $0x1B00, v0;
	v17 =	vadd.s32 $0x1F80, v0;
	[dreg:$0xa] =	wrdreg s26;
	s26 =	simm.s32 $0x3F10;
	s0 =	simm.s32 $0x2  }
.LBB2_1:
0x15: {  	s5 =	rddreg [dreg:$0x4]  }
0x16: {  	[tilespmem:s4], [sflag:$0x5] =	stream.linear.gather [hbm4b:s5+s4], $0x2710, $0x38;
	[tilespmem:$0x1F310] =	vst v63  }
0x17: {  	_ =	swait.ge [sflag:s19], $0x2710  }
0x18: {  	[sflag:s19] =	ssyncset.done $0x0  }
0x19: {  	[sflag:s19] =	ssyncadd.s32 $0xFFFFD8F0  }
0x1a: {  	s7 =	simm.s32 $0x2710;
	s8 =	rddreg [dreg:$0x1]  }
0x1b: {  	[tilespmem:s7], [sflag:$0x5] =	stream.linear.gather [hbm4b:s8+s4], $0x800, $0x38;
	[tilespmem:$0x1F310] =	vst v63  }
0x1c: {  	_ =	swait.ge [sflag:s19], $0x800  }
0x1d: {  	[sflag:s19] =	ssyncset.done $0x0  }
0x1e: {  	s16 =	simm.s32 $0x2F10;
	s15 =	rddreg [dreg:$0x5];
	[sflag:s19] =	ssyncadd.s32 $0xFFFFF800  }
0x1f: {  	[tilespmem:s16], [sflag:$0x5] =	stream.linear.gather [hbm4b:s15+s4], $0x800, $0x38;
	[tilespmem:$0x1F310] =	vst v63  }
0x20: {  	_ =	swait.ge [sflag:s19], $0x800  }
0x21: {  	[sflag:s19] =	ssyncset.done $0x0  }
0x22: {  	s18 =	simm.s32 $0x3710;
	s17 =	rddreg [dreg:$0x6];
	[sflag:s19] =	ssyncadd.s32 $0xFFFFF800  }
0x23: {  	[tilespmem:s18], [sflag:$0x5] =	stream.linear.gather [hbm4b:s17+s4], $0x800, $0x38;
	[tilespmem:$0x1F310] =	vst v63  }
0x24: {  	_ =	swait.ge [sflag:s19], $0x800  }
0x25: {  	[sflag:s19] =	ssyncset.done $0x0  }
0x26: {  	s5 =	simm.s32 $0x0;
	[sflag:s19] =	ssyncadd.s32 $0xFFFFF800  }
0x27: {  	s7 =	simm.s32 $0x120;
	[tilespmem:s5+$0x8B30] =	vst v1  }
.LBB2_2:
0x28: {  	p0 =	sne.s32 s7, $0x2CEE0;
	[tilespmem:s5+$0x8B20] =	vst v1;
	s8 =	smov.u32 s7;
	s7 =	sadd.s32 $0x120, s7  }
.Ltmp0:
0x29: {  	[tilespmem:s5+$0x8B40] =	vst v1;
	(pc) =	sbr.rel @p0 .LBB2_2-.Ltmp0, $4  }
0x2a: {  	[tilespmem:s5+$0x8B48] =	vst v1  }
0x2b: {  	[tilespmem:s5+$0x8B10] =	vst v1  }
0x2c: {  	s5 =	sshra.s32 s8, $0x2  }
0x2d: {  	[tilespmem:s5+$0x8B30] =	vst v1  }
0x2e: {  	[tilespmem:s5+$0x8B20] =	vst v1  }
0x2f: {  	[tilespmem:s5+$0x8B40] =	vst v1  }
0x30: {  	[tilespmem:s5+$0x8B10] =	vst v1  }
0x31: {  	[tilespmem:s5+$0x8B48] =	vst v1  }
0x32: {  	[spmem:s10] =	stream.linear.scatter [tilespmem:s23], [sflag:$0x5], $0xB400, $0x38;
	[tilespmem:$0x1F310] =	vst v63  }
0x33: {  	_ =	swait.ge [sflag:s19], $0xB400  }
0x34: {  	[sflag:s19] =	ssyncset.done $0x0  }
0x35: {  	s5 =	simm.s32 $0x0;
	[sflag:s19] =	ssyncadd.s32 $0xFFFF4C00  }
0x36: {  	s7 =	simm.s32 $0x120;
	[tilespmem:s5+$0x4330] =	vst v1  }
.LBB2_4:
0x37: {  	p0 =	sne.s32 s7, $0x8EE0;
	[tilespmem:s5+$0x4320] =	vst v1;
	s8 =	smov.u32 s7;
	s7 =	sadd.s32 $0x120, s7  }
.Ltmp1:
0x38: {  	[tilespmem:s5+$0x4340] =	vst v1;
	(pc) =	sbr.rel @p0 .LBB2_4-.Ltmp1, $4  }
0x39: {  	[tilespmem:s5+$0x4348] =	vst v1  }
0x3a: {  	[tilespmem:s5+$0x4310] =	vst v1  }
0x3b: {  	s5 =	sshra.s32 s8, $0x2  }
0x3c: {  	[tilespmem:s5+$0x4330] =	vst v1  }
0x3d: {  	[tilespmem:s5+$0x4320] =	vst v1  }
0x3e: {  	[tilespmem:s5+$0x4340] =	vst v1  }
0x3f: {  	[tilespmem:s5+$0x4310] =	vst v1  }
0x40: {  	[tilespmem:s5+$0x4348] =	vst v1  }
0x41: {  	[tilespmem:v2+s24+$0x0] =	vst.idx.msk $0xffff, v3  }
0x42: {  	[tilespmem:v4+s24+$0x0] =	vst.idx.msk $0xffff, v3  }
0x43: {  	[tilespmem:v5+s24+$0x0] =	vst.idx.msk $0xffff, v3  }
0x44: {  	[tilespmem:v6+s24+$0x0] =	vst.idx.msk $0xffff, v3  }
0x45: {  	[tilespmem:v7+s24+$0x0] =	vst.idx.msk $0xffff, v3  }
0x46: {  	[tilespmem:v8+s24+$0x0] =	vst.idx.msk $0xffff, v3  }
0x47: {  	[tilespmem:v9+s24+$0x0] =	vst.idx.msk $0xffff, v3  }
0x48: {  	s5 =	simm.s32 $0x0;
	[tilespmem:v10+s24+$0x0] =	vst.idx.msk $0xffff, v3  }
0x49: {  	s7 =	simm.s32 $0x120;
	[tilespmem:s5+$0x6730] =	vst v1  }
.LBB2_6:
0x4a: {  	p0 =	sne.s32 s7, $0x8EE0;
	[tilespmem:s5+$0x6720] =	vst v1;
	s8 =	smov.u32 s7;
	s7 =	sadd.s32 $0x120, s7  }
.Ltmp2:
0x4b: {  	[tilespmem:s5+$0x6740] =	vst v1;
	(pc) =	sbr.rel @p0 .LBB2_6-.Ltmp2, $4  }
0x4c: {  	[tilespmem:s5+$0x6748] =	vst v1  }
0x4d: {  	[tilespmem:s5+$0x6710] =	vst v1  }
0x4e: {  	s5 =	sshra.s32 s8, $0x2  }
0x4f: {  	[tilespmem:s5+$0x6730] =	vst v1  }
0x50: {  	[tilespmem:s5+$0x6720] =	vst v1  }
0x51: {  	[tilespmem:s5+$0x6740] =	vst v1  }
0x52: {  	[tilespmem:s5+$0x6710] =	vst v1  }
0x53: {  	[tilespmem:s5+$0x6748] =	vst v1  }
0x54: {  	[tilespmem:v2+s25+$0x0] =	vst.idx.msk $0xffff, v3  }
0x55: {  	[tilespmem:v4+s25+$0x0] =	vst.idx.msk $0xffff, v3  }
0x56: {  	[tilespmem:v5+s25+$0x0] =	vst.idx.msk $0xffff, v3  }
0x57: {  	[tilespmem:v6+s25+$0x0] =	vst.idx.msk $0xffff, v3  }
0x58: {  	[tilespmem:v7+s25+$0x0] =	vst.idx.msk $0xffff, v3  }
0x59: {  	[tilespmem:v8+s25+$0x0] =	vst.idx.msk $0xffff, v3  }
0x5a: {  	[tilespmem:v9+s25+$0x0] =	vst.idx.msk $0xffff, v3  }
0x5b: {  	[tilespmem:v10+s25+$0x0] =	vst.idx.msk $0xffff, v3  }
0x5c: {  	[bflag:$0x0] =	sbarrier.arrive $0xFFFF  }
0x5d: {  	s17 =	rddreg [dreg:$0x7]  }
0x5e: {  	[tilespmem:s26], [sflag:$0x1] =	stream.linear.gather [hbm4b:s17+s22], $0x180, $0x38;
	[tilespmem:$0x1F310] =	vst v63  }
0x5f: {  	s5 =	simm.s32 $0x0;
	s18 =	rddreg [dreg:$0x8]  }
0x60: {  	[tilespmem:s28], [sflag:$0x2] =	stream.linear.gather [hbm4b:s18+s22], $0x180, $0x38;
	[tilespmem:$0x1F310] =	vst v63  }
.LBB2_8:
0x61: {  	_ =	swait.ge [sflag:s29], $0x180  }
0x62: {  	[sflag:s29] =	ssyncset.done $0x0  }
0x63: {  	[sflag:s29] =	ssyncadd.s32 $0xFFFFFE80  }
0x64: {  	v18 =	vld [tilespmem:$0x3F10]  }
0x65: {  	v20 =	vld [tilespmem:$0x3F20]  }
0x66: {  	v21 =	vld [tilespmem:$0x3F90]  }
0x67: {  	v19 =	vld [tilespmem:$0x4010]  }
0x68: {  	v22 =	vld [tilespmem:$0x3F30]  }
0x69: {  	v23 =	vld [tilespmem:$0x3FA0]  }
0x6a: {  	v24 =	vld [tilespmem:$0x3F40]  }
0x6b: {  	v25 =	vld [tilespmem:$0x3FB0]  }
0x6c: {  	v26 =	vld [tilespmem:$0x3F50]  }
0x6d: {  	v27 =	vld [tilespmem:$0x3FC0]  }
0x6e: {  	v28 =	vld [tilespmem:$0x3F60]  }
0x6f: {  	v29 =	vld [tilespmem:$0x3FD0]  }
0x70: {  	v30 =	vld [tilespmem:$0x3F70]  }
0x71: {  	v31 =	vld [tilespmem:$0x3FE0]  }
0x72: {  	v32 =	vld [tilespmem:$0x3F80]  }
0x73: {  	v33 =	vld [tilespmem:$0x3FF0]  }
0x74: {  	v34 =	vld [tilespmem:$0x4000]  }
0x75: {  	v18 =	vld.idx.msk [tilespmem:v18+s4+$0x0], $0xffff  }
0x76: {  	[tilespmem:$0x4210] =	vst v21;
	v21 =	vld [tilespmem:$0x4020]  }
0x77: {  	v20 =	vld.idx.msk [tilespmem:v20+s4+$0x0], $0xffff  }
0x78: {  	[tilespmem:$0x4220] =	vst v23;
	v23 =	vld [tilespmem:$0x4030]  }
0x79: {  	v22 =	vld.idx.msk [tilespmem:v22+s4+$0x0], $0xffff  }
0x7a: {  	[tilespmem:$0x4230] =	vst v25;
	v25 =	vld [tilespmem:$0x4040]  }
0x7b: {  	v24 =	vld.idx.msk [tilespmem:v24+s4+$0x0], $0xffff  }
0x7c: {  	s7 =	sshll.u32 s5, $0x1;
	[tilespmem:$0x4240] =	vst v27;
	v27 =	vld [tilespmem:$0x4050]  }
0x7d: {  	s8 =	sadd.s32 s9, s7;
	v26 =	vld.idx.msk [tilespmem:v26+s4+$0x0], $0xffff  }
0x7e: {  	s8 =	smul.u32 $0x180, s8;
	[tilespmem:$0x4250] =	vst v29;
	v29 =	vld [tilespmem:$0x4060]  }
0x7f: {  	v28 =	vld.idx.msk [tilespmem:v28+s4+$0x0], $0xffff  }
0x80: {  	s8 =	sshrl.u32 s8, $0x3;
	[tilespmem:$0x4260] =	vst v31;
	v31 =	vld [tilespmem:$0x4070]  }
0x81: {  	s8 =	sadd.s32 s6, s8;
	v30 =	vld.idx.msk [tilespmem:v30+s4+$0x0], $0xffff;
	[tilespmem:$0x4270] =	vst v33  }
0x82: {  	p0 =	seq.s32 s5, $0x0;
	s8 =	sadd.s32 $0x60, s8;
	v32 =	vld.idx.msk [tilespmem:v32+s4+$0x0], $0xffff;
	[tilespmem:$0x4280] =	vst v34  }
0x83: {  	v33 =	vld [tilespmem:$0x4080];
	[tilespmem:s26], [sflag:$0x1] =	stream.linear.gather [hbm4b:s8+s4], $0x180, $0x38  }
0x84: {  	s8 =	simm.s32 @!p0 $0x3  }
0x85: {  	_ =	swait.ge @!p0 [sflag:s8], $0x2400  }
0x86: {  	[sflag:s8] =	ssyncset.done @!p0 $0x0  }
0x87: {  	[sflag:s8] =	ssyncadd.s32 @!p0 $0xFFFFDC00  }
0x88: {  	v59 =	vld [tilespmem:s11+$0x0]  }
0x89: {  	v35 =	vld [tilespmem:s12+$0x0];
	_ =	sdelay $0x3  }
0x8a: {  	v36 =	vld [tilespmem:s14+$0x0];
	v37 =	vmul.f32 v59, v26  }
0x8b: {  	v38 =	vmul.f32 v59, v30;
	v39 =	vmul.f32 v35, v19  }
0x8c: {  	v40 =	vmul.f32 v59, v20;
	v41 =	vmul.f32 v35, v23  }
0x8d: {  	v42 =	vmul.f32 v59, v18;
	v43 =	vmul.f32 v35, v21  }
0x8e: {  	v44 =	vmul.f32 v35, v33;
	v45 =	vmul.f32 v59, v22  }
0x8f: {  	v46 =	vmul.f32 v35, v25;
	v61 =	vmul.f32 v35, v27;
	v39 =	vadd.f32 v36, v39  }
0x90: {  	v47 =	vmul.f32 v59, v28;
	v62 =	vmul.f32 v59, v24;
	v41 =	vadd.f32 v36, v41  }
0x91: {  	v63 =	vmul.f32 v35, v29;
	v60 =	vadd.f32 v36, v43;
	v39 =	vadd.f32 v39, v42  }
0x92: {  	v35 =	vmul.f32 v35, v31;
	v43 =	vadd.f32 v36, v61;
	v48 =	vadd.f32 v36, v46  }
0x93: {  	v49 =	vadd.f32 v36, v63;
	v41 =	vadd.f32 v41, v45;
	v39 =	vmul.f32 $1.442695020e+00, v39  }
0x94: {  	v34 =	vmul.f32 v59, v32;
	v35 =	vadd.f32 v36, v35;
	v40 =	vadd.f32 v60, v40  }
0x95: {  	v37 =	vadd.f32 v43, v37;
	v41 =	vmul.f32 $1.442695020e+00, v41;
	(erf) = vpow2.f32 v39  }
0x96: {  	v36 =	vadd.f32 v36, v44;
	v40 =	vmul.f32 $1.442695020e+00, v40;
	v39 =	vadd.f32 v48, v62  }
0x97: {  	v50 =	vadd.f32 v49, v47;
	v37 =	vmul.f32 $1.442695020e+00, v37;
	(erf) = vpow2.f32 v41  }
0x98: {  	v35 =	vadd.f32 v35, v38;
	(erf) = vpow2.f32 v40;
	v39 =	vmul.f32 $1.442695020e+00, v39  }
0x99: {  	v51 =	vmul.f32 $1.442695020e+00, v50;
	(erf) = vpow2.f32 v37  }
0x9a: {  	v34 =	vadd.f32 v36, v34;
	v35 =	vmul.f32 $1.442695020e+00, v35;
	(erf) = vpow2.f32 v39  }
0x9b: {  	(erf) = vpow2.f32 v51  }
0x9c: {  	v34 =	vmul.f32 $1.442695020e+00, v34;
	(erf) = vpow2.f32 v35;
	_ =	sdelay $0x1  }
0x9d: {  	v52 =	vpop (erf);
	(erf) = vpow2.f32 v34;
	_ =	sdelay $0x1  }
0x9e: {  	v53 =	vadd.f32 $1.000000000e+00, v52;
	v54 =	vpop (erf)  }
0x9f: {  	v35 =	vadd.f32 $1.000000000e+00, v54;
	v55 =	vpop (erf)  }
0xa0: {  	v36 =	vadd.f32 $1.000000000e+00, v55;
	(erf) = vrcp.f32 v53;
	v56 =	vpop (erf)  }
0xa1: {  	(erf) = vrcp.f32 v35;
	v34 =	vadd.f32 $1.000000000e+00, v56;
	v57 =	vpop (erf)  }
0xa2: {  	(erf) = vrcp.f32 v36;
	v35 =	vadd.f32 $1.000000000e+00, v57;
	v58 =	vpop (erf)  }
0xa3: {  	v36 =	vadd.f32 $1.000000000e+00, v58;
	(erf) = vrcp.f32 v34;
	v59 =	vpop (erf)  }
0xa4: {  	v34 =	vadd.f32 $1.000000000e+00, v59;
	(erf) = vrcp.f32 v35  }
0xa5: {  	(erf) = vrcp.f32 v36;
	v60 =	vpop (erf)  }
0xa6: {  	(erf) = vrcp.f32 v34;
	v35 =	vadd.f32 $1.000000000e+00, v60;
	_ =	sdelay $0x1  }
0xa7: {  	v61 =	vmov s22;
	(erf) = vrcp.f32 v35  }
0xa8: {  	v34 =	vand.u32 $0x3F, v61;
	v62 =	vpop (erf)  }
0xa9: {  	s16 =	smov.u32 s11;
	v37 =	vadd.s32 v0, v34;
	v36 =	vadd.s32 v11, v34;
	v63 =	vpop (erf)  }
0xaa: {  	s17 =	smov.u32 s12;
	s18 =	smov.u32 s14;
	s8 =	simm.s32 $0x1;
	v35 =	vadd.s32 v12, v34;
	v39 =	vadd.f32 v62, v62;
	v38 =	vadd.f32 v63, v63;
	v40 =	vpop (erf)  }
.LBB2_9:
0xab: {  	v40 =	vadd.f32 v40, v40;
	s16 =	sadd.s32 $0x10, s16;
	s17 =	sadd.s32 $0x10, s17;
	s18 =	sadd.s32 $0x10, s18;
	v41 =	vpop (erf)  }
0xac: {  	p1 =	sne.s32 s8, $0x3F;
	v39 =	vsub.f32 $1.000000000e+00, v39;
	v42 =	vadd.s32 v13, v34;
	s15 =	smov.u32 s8;
	s8 =	sadd.s32 $0x1, s8;
	v41 =	vadd.f32 v41, v41;
	v43 =	vpop (erf)  }
0xad: {  	v44 =	vadd.s32 v14, v34;
	v40 =	vsub.f32 $1.000000000e+00, v40;
	v43 =	vadd.f32 v43, v43;
	v45 =	vpop (erf)  }
0xae: {  	v46 =	vsub.f32 $1.000000000e+00, v38;
	[tilespmem:v37+s24+$0x0] =	vst.idx.msk $0xffff, v39;
	v38 =	vadd.f32 v45, v45;
	v39 =	vadd.s32 v15, v34;
	v45 =	vpop (erf)  }
0xaf: {  	[tilespmem:v36+s24+$0x0] =	vst.idx.msk $0xffff, v40;
	v36 =	vsub.f32 $1.000000000e+00, v43;
	v40 =	vadd.f32 v45, v45;
	v43 =	vadd.s32 v16, v34  }
0xb0: {  	v34 =	vadd.s32 v17, v34;
	[tilespmem:v35+s24+$0x0] =	vst.idx.msk $0xffff, v46;
	v35 =	vsub.f32 $1.000000000e+00, v41;
	v37 =	vpop (erf)  }
0xb1: {  	[tilespmem:v42+s24+$0x0] =	vst.idx.msk $0xffff, v36;
	v36 =	vsub.f32 $1.000000000e+00, v38;
	v37 =	vadd.f32 v37, v37  }
0xb2: {  	[tilespmem:v44+s24+$0x0] =	vst.idx.msk $0xffff, v35;
	v35 =	vsub.f32 $1.000000000e+00, v40  }
0xb3: {  	[tilespmem:v39+s24+$0x0] =	vst.idx.msk $0xffff, v36;
	v36 =	vsub.f32 $1.000000000e+00, v37  }
0xb4: {  	[tilespmem:v43+s24+$0x0] =	vst.idx.msk $0xffff, v35  }
0xb5: {  	[tilespmem:v34+s24+$0x0] =	vst.idx.msk $0xffff, v36  }
0xb6: {  	v34 =	vld [tilespmem:s16+$0x0]  }
0xb7: {  	v35 =	vld [tilespmem:s17+$0x0];
	_ =	sdelay $0x1  }
0xb8: {  	v36 =	vld [tilespmem:s18+$0x0];
	_ =	sdelay $0x1  }
0xb9: {  	v37 =	vmul.f32 v34, v26;
	v38 =	vmul.f32 v34, v30  }
0xba: {  	v40 =	vmul.f32 v34, v20;
	v39 =	vmul.f32 v35, v19  }
0xbb: {  	v42 =	vmul.f32 v34, v32;
	v41 =	vmul.f32 v35, v23  }
0xbc: {  	v43 =	vmul.f32 v34, v18;
	v44 =	vmul.f32 v35, v33;
	v39 =	vadd.f32 v36, v39  }
0xbd: {  	v45 =	vmul.f32 v35, v21;
	v46 =	vmul.f32 v35, v25;
	v41 =	vadd.f32 v36, v41  }
0xbe: {  	v47 =	vmul.f32 v34, v28;
	v39 =	vadd.f32 v39, v43;
	v43 =	vmul.f32 v35, v27  }
0xbf: {  	v48 =	vmul.f32 v34, v22;
	v34 =	vmul.f32 v34, v24;
	v46 =	vadd.f32 v36, v46  }
0xc0: {  	v45 =	vadd.f32 v36, v45;
	v39 =	vmul.f32 $1.442695020e+00, v39;
	v43 =	vadd.f32 v36, v43  }
0xc1: {  	v41 =	vadd.f32 v41, v48;
	v34 =	vadd.f32 v46, v34;
	v46 =	vmul.f32 v35, v29  }
0xc2: {  	v40 =	vadd.f32 v45, v40;
	v35 =	vmul.f32 v35, v31;
	v37 =	vadd.f32 v43, v37  }
0xc3: {  	v41 =	vmul.f32 $1.442695020e+00, v41;
	v34 =	vmul.f32 $1.442695020e+00, v34;
	v43 =	vadd.f32 v36, v46  }
0xc4: {  	v40 =	vmul.f32 $1.442695020e+00, v40;
	v35 =	vadd.f32 v36, v35;
	(erf) = vpow2.f32 v39  }
0xc5: {  	v37 =	vmul.f32 $1.442695020e+00, v37;
	v39 =	vadd.f32 v43, v47;
	(erf) = vpow2.f32 v41  }
0xc6: {  	v35 =	vadd.f32 v35, v38;
	v36 =	vadd.f32 v36, v44;
	(erf) = vpow2.f32 v40  }
0xc7: {  	v38 =	vmul.f32 $1.442695020e+00, v39;
	(erf) = vpow2.f32 v37  }
0xc8: {  	v35 =	vmul.f32 $1.442695020e+00, v35;
	v36 =	vadd.f32 v36, v42;
	(erf) = vpow2.f32 v34  }
0xc9: {  	(erf) = vpow2.f32 v38  }
0xca: {  	v36 =	vmul.f32 $1.442695020e+00, v36;
	(erf) = vpow2.f32 v35;
	_ =	sdelay $0x1  }
0xcb: {  	(erf) = vpow2.f32 v36  }
0xcc: {  	v34 =	vpop (erf)  }
0xcd: {  	v37 =	vadd.f32 $1.000000000e+00, v34;
	v35 =	vpop (erf)  }
0xce: {  	v38 =	vadd.f32 $1.000000000e+00, v35;
	v36 =	vpop (erf)  }
0xcf: {  	v39 =	vadd.f32 $1.000000000e+00, v36;
	(erf) = vrcp.f32 v37;
	v34 =	vpop (erf)  }
0xd0: {  	v37 =	vadd.f32 $1.000000000e+00, v34;
	(erf) = vrcp.f32 v38;
	v35 =	vpop (erf)  }
0xd1: {  	v38 =	vadd.f32 $1.000000000e+00, v35;
	(erf) = vrcp.f32 v39;
	v36 =	vpop (erf)  }
0xd2: {  	v36 =	vadd.f32 $1.000000000e+00, v36;
	(erf) = vrcp.f32 v37;
	v34 =	vpop (erf)  }
0xd3: {  	v34 =	vadd.f32 $1.000000000e+00, v34;
	(erf) = vrcp.f32 v38  }
0xd4: {  	(erf) = vrcp.f32 v36;
	v35 =	vpop (erf)  }
0xd5: {  	v36 =	vadd.f32 $1.000000000e+00, v35;
	(erf) = vrcp.f32 v34  }
.Ltmp3:
0xd6: {  	(pc) =	sbr.rel @p1 .LBB2_9-.Ltmp3, $4  }
0xd7: {  	v34 =	vmov s15;
	(erf) = vrcp.f32 v36  }
0xd8: {  	v34 =	vand.u32 $0x3F, v34;
	v35 =	vpop (erf)  }
0xd9: {  	v37 =	vadd.s32 v0, v34;
	v39 =	vadd.f32 v35, v35;
	v35 =	vadd.s32 v12, v34;
	v38 =	vpop (erf)  }
0xda: {  	v36 =	vadd.s32 v11, v34;
	v38 =	vadd.f32 v38, v38;
	v40 =	vpop (erf)  }
0xdb: {  	_ = 	snop  }
0xdc: {  	v18 =	vadd.f32 v40, v40;
	v19 =	vpop (erf)  }
0xdd: {  	v20 =	vsub.f32 $1.000000000e+00, v39;
	v21 =	vadd.s32 v13, v34;
	v22 =	vpop (erf)  }
0xde: {  	v23 =	vadd.s32 v14, v34;
	v18 =	vsub.f32 $1.000000000e+00, v18;
	v22 =	vadd.f32 v22, v22  }
0xdf: {  	v25 =	vadd.s32 v15, v34;
	v19 =	vadd.f32 v19, v19;
	v24 =	vpop (erf);
	[tilespmem:v37+s24+$0x0] =	vst.idx.msk $0xffff, v20;
	v20 =	vsub.f32 $1.000000000e+00, v38  }
0xe0: {  	v24 =	vadd.f32 v24, v24;
	v26 =	vpop (erf);
	[tilespmem:v36+s24+$0x0] =	vst.idx.msk $0xffff, v18;
	v18 =	vsub.f32 $1.000000000e+00, v22;
	v22 =	vadd.s32 v16, v34  }
0xe1: {  	v19 =	vsub.f32 $1.000000000e+00, v19;
	v26 =	vadd.f32 v26, v26;
	[tilespmem:v35+s24+$0x0] =	vst.idx.msk $0xffff, v20;
	v20 =	vadd.s32 v17, v34;
	v27 =	vpop (erf)  }
0xe2: {  	[tilespmem:v21+s24+$0x0] =	vst.idx.msk $0xffff, v18;
	v18 =	vsub.f32 $1.000000000e+00, v24;
	v21 =	vadd.f32 v27, v27  }
0xe3: {  	[tilespmem:v23+s24+$0x0] =	vst.idx.msk $0xffff, v19;
	v19 =	vsub.f32 $1.000000000e+00, v26  }
0xe4: {  	[tilespmem:v25+s24+$0x0] =	vst.idx.msk $0xffff, v18;
	v18 =	vsub.f32 $1.000000000e+00, v21  }
0xe5: {  	[tilespmem:v22+s24+$0x0] =	vst.idx.msk $0xffff, v19  }
0xe6: {  	[tilespmem:v20+s24+$0x0] =	vst.idx.msk $0xffff, v18  }
0xe7: {  	[spmem:s3] =	stream.indirect.scatter.add.f32 [tilespmem:s24], [sflag:$0x3], $0x48, s31, s30, $0xb8;
	[tilespmem:$0x1F310] =	vst v63  }
0xe8: {  	_ =	swait.ge [sflag:s0], $0x180  }
0xe9: {  	[sflag:s0] =	ssyncset.done $0x0  }
0xea: {  	[sflag:s0] =	ssyncadd.s32 $0xFFFFFE80  }
0xeb: {  	v18 =	vld [tilespmem:$0x4090]  }
0xec: {  	v20 =	vld [tilespmem:$0x40A0]  }
0xed: {  	v21 =	vld [tilespmem:$0x4110]  }
0xee: {  	v19 =	vld [tilespmem:$0x4190]  }
0xef: {  	v22 =	vld [tilespmem:$0x40B0]  }
0xf0: {  	v23 =	vld [tilespmem:$0x4120]  }
0xf1: {  	v24 =	vld [tilespmem:$0x40C0]  }
0xf2: {  	v25 =	vld [tilespmem:$0x4130]  }
0xf3: {  	v26 =	vld [tilespmem:$0x40D0]  }
0xf4: {  	v27 =	vld [tilespmem:$0x4140]  }
0xf5: {  	v28 =	vld [tilespmem:$0x40E0]  }
0xf6: {  	v29 =	vld [tilespmem:$0x4150]  }
0xf7: {  	v30 =	vld [tilespmem:$0x40F0]  }
0xf8: {  	v31 =	vld [tilespmem:$0x4160]  }
0xf9: {  	v32 =	vld [tilespmem:$0x4100]  }
0xfa: {  	v33 =	vld [tilespmem:$0x4170]  }
0xfb: {  	v52 =	vld [tilespmem:$0x4180]  }
0xfc: {  	v18 =	vld.idx.msk [tilespmem:v18+s4+$0x0], $0xffff  }
0xfd: {  	[tilespmem:$0x4290] =	vst v21;
	v21 =	vld [tilespmem:$0x41A0]  }
0xfe: {  	v20 =	vld.idx.msk [tilespmem:v20+s4+$0x0], $0xffff  }
0xff: {  	[tilespmem:$0x42A0] =	vst v23;
	v23 =	vld [tilespmem:$0x41B0]  }
0x100: {  	v22 =	vld.idx.msk [tilespmem:v22+s4+$0x0], $0xffff  }
0x101: {  	[tilespmem:$0x42B0] =	vst v25;
	v25 =	vld [tilespmem:$0x41C0]  }
0x102: {  	v24 =	vld.idx.msk [tilespmem:v24+s4+$0x0], $0xffff  }
0x103: {  	[tilespmem:$0x42C0] =	vst v27;
	v27 =	vld [tilespmem:$0x41D0]  }
0x104: {  	s7 =	sadd.s32 s7, s13;
	v26 =	vld.idx.msk [tilespmem:v26+s4+$0x0], $0xffff  }
0x105: {  	s7 =	smul.u32 $0x180, s7;
	[tilespmem:$0x42D0] =	vst v29;
	v29 =	vld [tilespmem:$0x41E0]  }
0x106: {  	v28 =	vld.idx.msk [tilespmem:v28+s4+$0x0], $0xffff  }
0x107: {  	s7 =	sshrl.u32 s7, $0x3;
	[tilespmem:$0x42E0] =	vst v31;
	v31 =	vld [tilespmem:$0x41F0]  }
0x108: {  	s7 =	sadd.s32 s6, s7;
	v30 =	vld.idx.msk [tilespmem:v30+s4+$0x0], $0xffff;
	[tilespmem:$0x42F0] =	vst v33  }
0x109: {  	s7 =	sadd.s32 $0x60, s7;
	v32 =	vld.idx.msk [tilespmem:v32+s4+$0x0], $0xffff;
	[tilespmem:$0x4300] =	vst v52  }
0x10a: {  	v33 =	vld [tilespmem:$0x4200];
	[tilespmem:s28], [sflag:$0x2] =	stream.linear.gather [hbm4b:s7+s4], $0x180, $0x38  }
0x10b: {  	s7 =	simm.s32 @!p0 $0x4  }
0x10c: {  	_ =	swait.ge @!p0 [sflag:s7], $0x2400  }
0x10d: {  	[sflag:s7] =	ssyncset.done @!p0 $0x0  }
0x10e: {  	[sflag:s7] =	ssyncadd.s32 @!p0 $0xFFFFDC00  }
0x10f: {  	v53 =	vld [tilespmem:s11+$0x0]  }
0x110: {  	v54 =	vld [tilespmem:s12+$0x0];
	_ =	sdelay $0x3  }
0x111: {  	v56 =	vmul.f32 v53, v26;
	v57 =	vmul.f32 v53, v30  }
0x112: {  	v55 =	vld [tilespmem:s14+$0x0];
	v58 =	vmul.f32 v54, v19;
	v59 =	vmul.f32 v53, v20  }
0x113: {  	v41 =	vmul.f32 v54, v23;
	v42 =	vmul.f32 v53, v18  }
0x114: {  	v43 =	vmul.f32 v54, v21;
	v44 =	vmul.f32 v54, v33  }
0x115: {  	v45 =	vmul.f32 v53, v22;
	v46 =	vmul.f32 v54, v25  }
0x116: {  	v61 =	vmul.f32 v54, v27;
	v47 =	vmul.f32 v53, v28  }
0x117: {  	v62 =	vmul.f32 v53, v24;
	v39 =	vadd.f32 v55, v58;
	v41 =	vadd.f32 v55, v41  }
0x118: {  	v63 =	vmul.f32 v54, v29;
	v60 =	vadd.f32 v55, v43;
	v43 =	vadd.f32 v55, v61  }
0x119: {  	v35 =	vmul.f32 v54, v31;
	v48 =	vadd.f32 v55, v46;
	v39 =	vadd.f32 v39, v42  }
0x11a: {  	v34 =	vmul.f32 v53, v32;
	v49 =	vadd.f32 v55, v63;
	v41 =	vadd.f32 v41, v45  }
0x11b: {  	v35 =	vadd.f32 v55, v35;
	v40 =	vadd.f32 v60, v59;
	v39 =	vmul.f32 $1.442695020e+00, v39  }
0x11c: {  	v36 =	vadd.f32 v55, v44;
	v37 =	vadd.f32 v43, v56;
	v41 =	vmul.f32 $1.442695020e+00, v41  }
0x11d: {  	v40 =	vmul.f32 $1.442695020e+00, v40;
	(erf) = vpow2.f32 v39;
	v39 =	vadd.f32 v48, v62  }
0x11e: {  	v50 =	vadd.f32 v49, v47;
	v37 =	vmul.f32 $1.442695020e+00, v37;
	(erf) = vpow2.f32 v41  }
0x11f: {  	v35 =	vadd.f32 v35, v57;
	(erf) = vpow2.f32 v40;
	v39 =	vmul.f32 $1.442695020e+00, v39  }
0x120: {  	v51 =	vmul.f32 $1.442695020e+00, v50;
	(erf) = vpow2.f32 v37  }
0x121: {  	v34 =	vadd.f32 v36, v34;
	v35 =	vmul.f32 $1.442695020e+00, v35;
	(erf) = vpow2.f32 v39  }
0x122: {  	(erf) = vpow2.f32 v51  }
0x123: {  	v34 =	vmul.f32 $1.442695020e+00, v34;
	(erf) = vpow2.f32 v35;
	_ =	sdelay $0x1  }
0x124: {  	(erf) = vpow2.f32 v34  }
0x125: {  	v52 =	vpop (erf)  }
0x126: {  	v53 =	vadd.f32 $1.000000000e+00, v52;
	v54 =	vpop (erf)  }
0x127: {  	v35 =	vadd.f32 $1.000000000e+00, v54;
	v55 =	vpop (erf)  }
0x128: {  	v36 =	vadd.f32 $1.000000000e+00, v55;
	(erf) = vrcp.f32 v53;
	v56 =	vpop (erf)  }
0x129: {  	(erf) = vrcp.f32 v35;
	v34 =	vadd.f32 $1.000000000e+00, v56;
	v57 =	vpop (erf)  }
0x12a: {  	(erf) = vrcp.f32 v36;
	v35 =	vadd.f32 $1.000000000e+00, v57;
	v58 =	vpop (erf)  }
0x12b: {  	v36 =	vadd.f32 $1.000000000e+00, v58;
	(erf) = vrcp.f32 v34;
	v59 =	vpop (erf)  }
0x12c: {  	v34 =	vadd.f32 $1.000000000e+00, v59;
	(erf) = vrcp.f32 v35  }
0x12d: {  	v60 =	vpop (erf);
	(erf) = vrcp.f32 v36  }
0x12e: {  	v35 =	vadd.f32 $1.000000000e+00, v60;
	(erf) = vrcp.f32 v34  }
0x12f: {  	s18 =	simm.s32 $0x0  }
0x130: {  	v61 =	vmov s18;
	(erf) = vrcp.f32 v35  }
0x131: {  	v34 =	vand.u32 $0x3F, v61;
	v62 =	vpop (erf)  }
0x132: {  	s8 =	smov.u32 s11;
	v37 =	vadd.s32 v0, v34;
	v35 =	vadd.s32 v12, v34;
	v63 =	vpop (erf)  }
0x133: {  	s16 =	smov.u32 s12;
	s17 =	smov.u32 s14;
	s7 =	simm.s32 $0x1;
	v36 =	vadd.s32 v11, v34;
	v39 =	vadd.f32 v62, v62;
	v38 =	vadd.f32 v63, v63;
	v40 =	vpop (erf)  }
.LBB2_11:
0x134: {  	v40 =	vadd.f32 v40, v40;
	s8 =	sadd.s32 $0x10, s8;
	s16 =	sadd.s32 $0x10, s16;
	s17 =	sadd.s32 $0x10, s17;
	v41 =	vpop (erf)  }
0x135: {  	p0 =	sne.s32 s7, $0x3F;
	v39 =	vsub.f32 $1.000000000e+00, v39;
	v42 =	vadd.s32 v13, v34;
	s15 =	smov.u32 s7;
	s7 =	sadd.s32 $0x1, s7;
	v41 =	vadd.f32 v41, v41;
	v43 =	vpop (erf)  }
0x136: {  	v44 =	vadd.s32 v14, v34;
	v40 =	vsub.f32 $1.000000000e+00, v40;
	v43 =	vadd.f32 v43, v43;
	v45 =	vpop (erf)  }
0x137: {  	v46 =	vsub.f32 $1.000000000e+00, v38;
	[tilespmem:v37+s25+$0x0] =	vst.idx.msk $0xffff, v39;
	v38 =	vadd.f32 v45, v45;
	v39 =	vadd.s32 v15, v34;
	v45 =	vpop (erf)  }
0x138: {  	[tilespmem:v36+s25+$0x0] =	vst.idx.msk $0xffff, v40;
	v36 =	vsub.f32 $1.000000000e+00, v43;
	v40 =	vadd.f32 v45, v45;
	v43 =	vadd.s32 v16, v34  }
0x139: {  	v34 =	vadd.s32 v17, v34;
	[tilespmem:v35+s25+$0x0] =	vst.idx.msk $0xffff, v46;
	v35 =	vsub.f32 $1.000000000e+00, v41;
	v37 =	vpop (erf)  }
0x13a: {  	[tilespmem:v42+s25+$0x0] =	vst.idx.msk $0xffff, v36;
	v36 =	vsub.f32 $1.000000000e+00, v38;
	v37 =	vadd.f32 v37, v37  }
0x13b: {  	[tilespmem:v44+s25+$0x0] =	vst.idx.msk $0xffff, v35;
	v35 =	vsub.f32 $1.000000000e+00, v40  }
0x13c: {  	[tilespmem:v39+s25+$0x0] =	vst.idx.msk $0xffff, v36;
	v36 =	vsub.f32 $1.000000000e+00, v37  }
0x13d: {  	[tilespmem:v43+s25+$0x0] =	vst.idx.msk $0xffff, v35  }
0x13e: {  	[tilespmem:v34+s25+$0x0] =	vst.idx.msk $0xffff, v36  }
0x13f: {  	v34 =	vld [tilespmem:s8+$0x0]  }
0x140: {  	v35 =	vld [tilespmem:s16+$0x0];
	_ =	sdelay $0x1  }
0x141: {  	v36 =	vld [tilespmem:s17+$0x0];
	_ =	sdelay $0x1  }
0x142: {  	v37 =	vmul.f32 v34, v26;
	v38 =	vmul.f32 v34, v30  }
0x143: {  	v40 =	vmul.f32 v34, v20;
	v39 =	vmul.f32 v35, v19  }
0x144: {  	v42 =	vmul.f32 v34, v32;
	v41 =	vmul.f32 v35, v23  }
0x145: {  	v43 =	vmul.f32 v34, v18;
	v44 =	vmul.f32 v35, v33;
	v39 =	vadd.f32 v36, v39  }
0x146: {  	v45 =	vmul.f32 v35, v21;
	v46 =	vmul.f32 v35, v25;
	v41 =	vadd.f32 v36, v41  }
0x147: {  	v47 =	vmul.f32 v34, v28;
	v39 =	vadd.f32 v39, v43;
	v43 =	vmul.f32 v35, v27  }
0x148: {  	v48 =	vmul.f32 v34, v22;
	v34 =	vmul.f32 v34, v24;
	v46 =	vadd.f32 v36, v46  }
0x149: {  	v45 =	vadd.f32 v36, v45;
	v39 =	vmul.f32 $1.442695020e+00, v39;
	v43 =	vadd.f32 v36, v43  }
0x14a: {  	v41 =	vadd.f32 v41, v48;
	v34 =	vadd.f32 v46, v34;
	v46 =	vmul.f32 v35, v29  }
0x14b: {  	v40 =	vadd.f32 v45, v40;
	v35 =	vmul.f32 v35, v31;
	v37 =	vadd.f32 v43, v37  }
0x14c: {  	v41 =	vmul.f32 $1.442695020e+00, v41;
	v34 =	vmul.f32 $1.442695020e+00, v34;
	v43 =	vadd.f32 v36, v46  }
0x14d: {  	v40 =	vmul.f32 $1.442695020e+00, v40;
	v35 =	vadd.f32 v36, v35;
	(erf) = vpow2.f32 v39  }
0x14e: {  	v37 =	vmul.f32 $1.442695020e+00, v37;
	v39 =	vadd.f32 v43, v47;
	(erf) = vpow2.f32 v41  }
0x14f: {  	v35 =	vadd.f32 v35, v38;
	v36 =	vadd.f32 v36, v44;
	(erf) = vpow2.f32 v40  }
0x150: {  	v38 =	vmul.f32 $1.442695020e+00, v39;
	(erf) = vpow2.f32 v37  }
0x151: {  	v35 =	vmul.f32 $1.442695020e+00, v35;
	v36 =	vadd.f32 v36, v42;
	(erf) = vpow2.f32 v34  }
0x152: {  	(erf) = vpow2.f32 v38  }
0x153: {  	v36 =	vmul.f32 $1.442695020e+00, v36;
	(erf) = vpow2.f32 v35;
	_ =	sdelay $0x1  }
0x154: {  	(erf) = vpow2.f32 v36  }
0x155: {  	v34 =	vpop (erf)  }
0x156: {  	v37 =	vadd.f32 $1.000000000e+00, v34;
	v35 =	vpop (erf)  }
0x157: {  	v38 =	vadd.f32 $1.000000000e+00, v35;
	v36 =	vpop (erf)  }
0x158: {  	v39 =	vadd.f32 $1.000000000e+00, v36;
	(erf) = vrcp.f32 v37;
	v34 =	vpop (erf)  }
0x159: {  	v37 =	vadd.f32 $1.000000000e+00, v34;
	(erf) = vrcp.f32 v38;
	v35 =	vpop (erf)  }
0x15a: {  	v38 =	vadd.f32 $1.000000000e+00, v35;
	(erf) = vrcp.f32 v39;
	v36 =	vpop (erf)  }
0x15b: {  	v36 =	vadd.f32 $1.000000000e+00, v36;
	(erf) = vrcp.f32 v37;
	v34 =	vpop (erf)  }
0x15c: {  	v34 =	vadd.f32 $1.000000000e+00, v34;
	(erf) = vrcp.f32 v38  }
0x15d: {  	(erf) = vrcp.f32 v36;
	v35 =	vpop (erf)  }
0x15e: {  	v36 =	vadd.f32 $1.000000000e+00, v35;
	(erf) = vrcp.f32 v34  }
.Ltmp4:
0x15f: {  	(pc) =	sbr.rel @p0 .LBB2_11-.Ltmp4, $4  }
0x160: {  	v34 =	vmov s15;
	(erf) = vrcp.f32 v36  }
0x161: {  	v34 =	vand.u32 $0x3F, v34;
	v35 =	vpop (erf)  }
0x162: {  	v37 =	vadd.s32 v0, v34;
	v39 =	vadd.f32 v35, v35;
	v35 =	vadd.s32 v12, v34;
	v38 =	vpop (erf)  }
0x163: {  	v36 =	vadd.s32 v11, v34;
	v38 =	vadd.f32 v38, v38;
	v40 =	vpop (erf)  }
0x164: {  	_ = 	snop  }
0x165: {  	v18 =	vadd.f32 v40, v40;
	v19 =	vpop (erf)  }
0x166: {  	v20 =	vsub.f32 $1.000000000e+00, v39;
	v21 =	vadd.s32 v13, v34;
	v22 =	vpop (erf)  }
0x167: {  	v23 =	vadd.s32 v14, v34;
	v18 =	vsub.f32 $1.000000000e+00, v18;
	v22 =	vadd.f32 v22, v22  }
0x168: {  	v25 =	vadd.s32 v15, v34;
	v19 =	vadd.f32 v19, v19;
	v60 =	vsub.f32 $1.000000000e+00, v38;
	v24 =	vpop (erf);
	[tilespmem:v37+s25+$0x0] =	vst.idx.msk $0xffff, v20  }
0x169: {  	v61 =	vadd.s32 v16, v34;
	v24 =	vadd.f32 v24, v24;
	v26 =	vpop (erf);
	[tilespmem:v36+s25+$0x0] =	vst.idx.msk $0xffff, v18;
	v18 =	vsub.f32 $1.000000000e+00, v22  }
0x16a: {  	v62 =	vadd.s32 v17, v34;
	s5 =	sadd.s32 $0x1, s5;
	v19 =	vsub.f32 $1.000000000e+00, v19;
	v26 =	vadd.f32 v26, v26;
	[tilespmem:v35+s25+$0x0] =	vst.idx.msk $0xffff, v60;
	v27 =	vpop (erf)  }
0x16b: {  	p0 =	sne.s32 s5, $0x4F;
	[tilespmem:v21+s25+$0x0] =	vst.idx.msk $0xffff, v18;
	v18 =	vsub.f32 $1.000000000e+00, v24;
	v63 =	vadd.f32 v27, v27  }
.Ltmp5:
0x16c: {  	[tilespmem:v23+s25+$0x0] =	vst.idx.msk $0xffff, v19;
	v19 =	vsub.f32 $1.000000000e+00, v26;
	(pc) =	sbr.rel @p0 .LBB2_8-.Ltmp5, $4  }
0x16d: {  	[tilespmem:v25+s25+$0x0] =	vst.idx.msk $0xffff, v18;
	v18 =	vsub.f32 $1.000000000e+00, v63  }
0x16e: {  	[tilespmem:v61+s25+$0x0] =	vst.idx.msk $0xffff, v19  }
0x16f: {  	[tilespmem:v62+s25+$0x0] =	vst.idx.msk $0xffff, v18  }
0x170: {  	[spmem:s3] =	stream.indirect.scatter.add.f32 [tilespmem:s25], [sflag:$0x4], $0x48, s1, s30, $0xb8;
	[tilespmem:$0x1F310] =	vst v63  }
0x171: {  	_ =	swait.ge [sflag:s29], $0x180  }
0x172: {  	[sflag:s29] =	ssyncset.done $0x0  }
0x173: {  	[sflag:s29] =	ssyncadd.s32 $0xFFFFFE80  }
0x174: {  	_ =	swait.ge [sflag:s0], $0x180  }
0x175: {  	[sflag:s0] =	ssyncset.done $0x0  }
0x176: {  	[sflag:s0] =	ssyncadd.s32 $0xFFFFFE80  }
0x177: {  	_ =	swait.ge [sflag:s2], $0x2400  }
0x178: {  	[sflag:s2] =	ssyncset.done $0x0  }
0x179: {  	[sflag:s2] =	ssyncadd.s32 $0xFFFFDC00  }
0x17a: {  	_ =	swait.ge [sflag:s20], $0x2400  }
0x17b: {  	[sflag:s20] =	ssyncset.done $0x0  }
0x17c: {  	[sflag:s20] =	ssyncadd.s32 $0xFFFFDC00  }
0x17d: {  	[bflag:$0x0] =	sbarrier.arrive $0xFFFF  }
0x17e: {  	[tilespmem:s23], [sflag:$0x5] =	stream.linear.gather [spmem:s10], $0xB400, $0x38;
	[tilespmem:$0x1F310] =	vst v63  }
0x17f: {  	_ =	swait.ge [sflag:s19], $0xB400  }
0x180: {  	[sflag:s19] =	ssyncset.done $0x0  }
0x181: {  	s5 =	rddreg [dreg:$0x9];
	[sflag:s19] =	ssyncadd.s32 $0xFFFF4C00  }
0x182: {  	[hbm4b:s5+s4] =	stream.linear.scatter [tilespmem:s23], [sflag:$0x5], $0xB400, $0x38;
	[tilespmem:$0x1F310] =	vst v63  }
0x183: {  	_ =	swait.ge [sflag:s19], $0xB400  }
0x184: {  	s21 =	sadd.s32 $0x1, s21;
	s18 =	rddreg [dreg:$0xa]  }
0x185: {  	p0 =	sne.s32 s21, s18  }
.Ltmp6:
0x186: {  	_ = 	snop;
	(pc) =	sbr.rel @p0 .LBB2_1-.Ltmp6, $3  }
0x187: {  	_ =	sdelay $0x1  }
0x188: {  	[sflag:s19] =	ssyncset.done $0x0  }
0x189: {  	[sflag:s19] =	ssyncadd.s32 $0xFFFF4C00  }
0x18a: {  	_ =	sfence.sel $0x180000  }
0x18b: {  	[bflag:$0x0] =	sbarrier.arrive $0xFFFF  }
0x18c: {  	_ =	strace $0x90000047  }
0x18d: {  	s0 =	stileid.u32;
	[bflag:$0x2] =	sbarrier.arrive $0xFFFF  }
0x18e: {  	p0 =	sne.s32 s0, $0x0;
	s0 =	rddreg [dreg:$0x3]  }
0x18f: {  	s0 =	sadd.s32 @!p0 $0x100000, s0  }
0x190: {  	[sflag:s0] =	ssyncadd.tile.s32 @!p0 $0x1;
	_ =	shalt  }
.Lfunc_end2:
_tile_overlayer_lowered:
.L_overlay_start_2:
0x191: {  	(tag) =	ssettag $0x2  }
0x192: {  	s0 =	rddreg [dreg:$0x0];
	s2 =	stileid.u32  }
0x193: {  	s1 =	rddreg [dreg:$0x1];
	p0 =	sne.s32 s2, $0x0  }
0x194: {  	s3 =	rddreg [dreg:$0x2];
	[bflag:$0x3] =	sbarrier.arrive $0xFFFF;
	s2 =	simm.s32 @!p0 $0x1C05  }
0x195: {  	[timem:s3], [sflag:s2] =	dma.local @!p0 [hbm:s0], s1  }
0x196: {  	s0 =	simm.s32 @!p0 $0x5  }
0x197: {  	_ =	swait.ge @!p0 [sflag:s0], s1  }
0x198: {  	s1 =	ssub.s32 @!p0 $0x0, s1;
	[sflag:s0] =	ssyncset.done @!p0 $0x0  }
0x199: {  	[sflag:s0] =	ssyncadd.s32 @!p0 s1  }
0x19a: {  	[bflag:$0x3] =	sbarrier.arrive $0xFFFF  }
0x19b: {  	_ =	shalt  }

// kernel: kernel.9.cloned.1.call-start
scs
__scs_entry_jumppad:
0x0: {  	(pc) =	sbr.rel $0x88, $3  }
0x1: {  	(tag) =	ssettag $0x0;
	lr =	simm.s32 $0x1  }
0x2: {  	[smem:$0x3F92] =	sst lr;
	_ =	strace $0xD0000000  }
0x3: {  	_ = 	snop  }
0x4: {  	_ = 	snop  }
0x5: {  	_ = 	snop  }
0x6: {  	_ = 	snop  }
0x7: {  	_ = 	snop  }
__scs_overlays_trampoline_lowered:
0x8: {  	[smem:$0x3FA1] =	sst s0  }
0x9: {  	[smem:$0x3FA2] =	sst s1  }
0xa: {  	[smem:$0x3FA3] =	sst s2  }
0xb: {  	[smem:$0x3FA4] =	sst s3  }
0xc: {  	[smem:$0x3FA5] =	sst s4  }
0xd: {  	[smem:$0x3FA6] =	sst s5  }
0xe: {  	[smem:$0x3FA7] =	sst s6  }
0xf: {  	[smem:$0x3FA8] =	sst s7  }
0x10: {  	[smem:$0x3FA9] =	sst s8  }
0x11: {  	[smem:$0x3FAA] =	sst s9;
	s0 =	simm.s32 @!p0 $0x0  }
0x12: {  	s1 =	sld [smem:$0x3F90];
	s0 =	simm.s32 @p0 $0x1  }
0x13: {  	[smem:$0x3FAB] =	sst s0;
	s0 =	simm.s32 @!p1 $0x0  }
0x14: {  	s2 =	sld [smem:$0x3F8F];
	s0 =	simm.s32 @p1 $0x1  }
0x15: {  	[smem:$0x3FAC] =	sst s0;
	s0 =	simm.s32 @!p2 $0x0  }
0x16: {  	s3 =	sld [smem:$0x3FDB];
	s0 =	simm.s32 @p2 $0x1  }
0x17: {  	s4 =	simm.s32 $0x1BF5;
	[smem:$0x3FAE] =	sst s0  }
0x18: {  	s0 =	sld [smem:$0x3F91];
	_ =	swait.ge [sflag:s4], $0x0  }
0x19: {  	s7 =	sld [smem:$0x3F92]  }
0x1a: {  	s8 =	sadd.s32 $0xFFFFE003, lr  }
0x1b: {  	s9 =	sadd.s32 $0xFFFFFEF7, lr;
	s5 =	simm.s32 $0xFFFFFFFF;
	p2 =	slt.u32 s8, $0xFFFFF086  }
0x1c: {  	p1 =	slt.u32 s9, $0xF7A;
	s5 =	simm.s32 @!p2 $0x0  }
0x1d: {  	s5 =	simm.s32 @p1 $0x1;
	p0 =	seq.s32 s7, s2  }
0x1e: {  	s7 =	smul.u32 @!p0 $0xF7A, s2;
	p2 =	seq.s32 @!p0 s5, $0x0  }
0x1f: {  	s9 =	smul.u32 $0xF7A, s1;
	s8 =	simm.s32 @!p0 $0x1BF5;
	p2 =	por !p2, p0  }
0x20: {  	[sflag:s8] =	ssyncset.s32 @!p0 $0xFFFFF086;
	s6 =	sadd.s32 @!p0 s3, s7;
	s7 =	simm.s32 @!p0 $0x108  }
0x21: {  	s3 =	sadd.s32 s3, s9;
	s6 =	sadd.s32 @!p0 $0x88, s6;
	s7 =	simm.s32 @p2 $0x1082  }
0x22: {  	[simem:s7], [sflag:s8] =	dma.local @!p0 [hbm:s6], $0xF7A  }
0x23: {  	s9 =	sor.u32 $0xD0000000, s2;
	s6 =	simm.s32 $0x108;
	_ =	swait.ge @!p0 [sflag:s8], $0x0  }
0x24: {  	s3 =	sadd.s32 $0x88, s3;
	s6 =	simm.s32 @!p1 $0x1082;
	[sflag:s4] =	ssyncset.s32 $0xFFFFF086  }
0x25: {  	[simem:s6], [sflag:s4] =	dma.local [hbm:s3], $0xF7A  }
0x26: {  	[smem:$0x3F92] =	sst s1;
	(tag) =	ssettag s2;
	_ =	strace s9  }
0x27: {  	s1 =	sld [smem:$0x3FA2]  }
0x28: {  	s2 =	sld [smem:$0x3FA3]  }
0x29: {  	s4 =	sld [smem:$0x3FA5]  }
0x2a: {  	p0 =	seq.s32 s5, $0x0;
	s5 =	sld [smem:$0x3FA6]  }
0x2b: {  	s6 =	sld [smem:$0x3FA7]  }
0x2c: {  	s7 =	sld [smem:$0x3FA8]  }
0x2d: {  	s3 =	simm.s32 $0x108;
	s8 =	sld [smem:$0x3FA9]  }
0x2e: {  	s3 =	simm.s32 @!p0 $0x1082;
	s9 =	sld [smem:$0x3FAA]  }
0x2f: {  	lr =	sadd.s32 s0, s3;
	s0 =	sld [smem:$0x3FA1]  }
0x30: {  	s3 =	sld [smem:$0x3FA4]  }
0x31: {  	[smem:$0x3FAD] =	sst s10  }
0x32: {  	s10 =	sld [smem:$0x3FAB];
	_ =	sdelay $0x3  }
0x33: {  	p0 =	seq.s32 s10, $0x1;
	s10 =	sld [smem:$0x3FAD];
	_ =	sdelay $0x3  }
0x34: {  	[smem:$0x3FAD] =	sst s10  }
0x35: {  	s10 =	sld [smem:$0x3FAC];
	_ =	sdelay $0x3  }
0x36: {  	p1 =	seq.s32 s10, $0x1;
	s10 =	sld [smem:$0x3FAD];
	_ =	sdelay $0x3  }
0x37: {  	[smem:$0x3FAD] =	sst s10  }
0x38: {  	s10 =	sld [smem:$0x3FAE]  }
0x39: {  	_ = 	snop;
	(pc) =	sbr.ind lr, $3  }
0x3a: {  	_ = 	snop  }
0x3b: {  	_ = 	snop  }
0x3c: {  	p2 =	seq.s32 s10, $0x1;
	s10 =	sld [smem:$0x3FAD]  }
0x3d: {  	_ =	shalt  }
0x3e: {  	_ =	shalt  }
0x3f: {  	_ =	shalt  }
0x40: {  	_ =	shalt  }
0x41: {  	_ =	shalt  }
0x42: {  	_ =	shalt  }
0x43: {  	_ =	shalt  }
0x44: {  	_ =	shalt  }
0x45: {  	_ =	shalt  }
0x46: {  	_ =	shalt  }
0x47: {  	_ =	shalt  }
0x48: {  	_ =	shalt  }
0x49: {  	_ =	shalt  }
0x4a: {  	_ =	shalt  }
0x4b: {  	_ =	shalt  }
0x4c: {  	_ =	shalt  }
0x4d: {  	_ =	shalt  }
0x4e: {  	_ =	shalt  }
0x4f: {  	_ =	shalt  }
0x50: {  	_ =	shalt  }
0x51: {  	_ =	shalt  }
0x52: {  	_ =	shalt  }
0x53: {  	_ =	shalt  }
0x54: {  	_ =	shalt  }
0x55: {  	_ =	shalt  }
0x56: {  	_ =	shalt  }
0x57: {  	_ =	shalt  }
0x58: {  	_ =	shalt  }
0x59: {  	_ =	shalt  }
0x5a: {  	_ =	shalt  }
0x5b: {  	_ =	shalt  }
0x5c: {  	_ =	shalt  }
0x5d: {  	_ =	shalt  }
0x5e: {  	_ =	shalt  }
0x5f: {  	_ =	shalt  }
0x60: {  	_ =	shalt  }
0x61: {  	_ =	shalt  }
0x62: {  	_ =	shalt  }
0x63: {  	_ =	shalt  }
0x64: {  	_ =	shalt  }
0x65: {  	_ =	shalt  }
0x66: {  	_ =	shalt  }
0x67: {  	_ =	shalt  }
0x68: {  	_ =	shalt  }
0x69: {  	_ =	shalt  }
0x6a: {  	_ =	shalt  }
0x6b: {  	_ =	shalt  }
0x6c: {  	_ =	shalt  }
0x6d: {  	_ =	shalt  }
0x6e: {  	_ =	shalt  }
0x6f: {  	_ =	shalt  }
0x70: {  	_ =	shalt  }
0x71: {  	_ =	shalt  }
0x72: {  	_ =	shalt  }
0x73: {  	_ =	shalt  }
0x74: {  	_ =	shalt  }
0x75: {  	_ =	shalt  }
0x76: {  	_ =	shalt  }
0x77: {  	_ =	shalt  }
0x78: {  	_ =	shalt  }
0x79: {  	_ =	shalt  }
0x7a: {  	_ =	shalt  }
0x7b: {  	_ =	shalt  }
0x7c: {  	_ =	shalt  }
0x7d: {  	_ =	shalt  }
0x7e: {  	_ =	shalt  }
0x7f: {  	_ =	shalt  }
0x80: {  	_ =	shalt  }
0x81: {  	_ =	shalt  }
0x82: {  	_ =	shalt  }
0x83: {  	_ =	shalt  }
0x84: {  	_ =	shalt  }
0x85: {  	_ =	shalt  }
0x86: {  	_ =	shalt  }
0x87: {  	_ =	shalt  }
.Lfunc_end0:
.L_simem_size_0:
called_computation.1_lowered:
.L_overlay_start_0:
0x88: {  	s2 =	sld [smem:$0x3FD9]  }
0x89: {  	s3 =	sld [smem:$0x3FFE];
	_ =	sdelay $0x1  }
0x8a: {  	s1 =	srdreg.scid  }
0x8b: {  	s0 =	sand.u32 $0x1, s1  }
0x8c: {  	s16 =	sshll.u32 s0, $0xA;
	s2 =	sadd.s32 s3, s2  }
0x8d: {  	s2 =	sadd.s32 s2, s16  }
0x8e: {  	[smem:$0x3FB9] =	sst s2  }
0x8f: {  	_ = 	snop  }
0x90: {  	(tm) =	ssettm $0x1  }
0x91: {  	s17 =	sld [smem:$0x3FFB];
	_ =	sdelay $0x3  }
0x92: {  	_ =	strace s17  }
0x93: {  	s2 =	sld [smem:$0x3FFC];
	_ =	sdelay $0x3  }
0x94: {  	_ =	strace s2  }
0x95: {  	s2 =	sld [smem:$0x3FFD];
	_ =	sdelay $0x3  }
0x96: {  	_ =	strace s2  }
0x97: {  	_ =	strace $0x8FFFFFFF  }
0x98: {  	s18 =	sld [smem:$0x3FDB];
	_ =	sdelay $0x1  }
0x99: {  	s19 =	simm.s32 $_scs_section_size  }
0x9a: {  	s4 =	simm.s32 $_size__tile_overlayer_lowered;
	s5 =	simm.s32 $_tile_overlayer_lowered  }
0x9b: {  	s22 =	simm.s32 $0x1BFF;
	s21 =	sshll.u32 s5, $0x1;
	s2 =	sadd.s32 s19, s18  }
0x9c: {  	s6 =	simm.s32 $0x0;
	s20 =	sshll.u32 s4, $0x1;
	s4 =	sadd.s32 s21, s2  }
0x9d: {  	[timem:s6], [sflag:s22] =	dma.local [hbm:s4], s20  }
0x9e: {  	_ =	swait.ge [sflag:s22], s20  }
0x9f: {  	s3 =	ssub.s32 $0x0, s20;
	[sflag:s22] =	ssyncset.done $0x0  }
0xa0: {  	[sflag:s22] =	ssyncadd.s32 s3;
	_ =	sdelay $0x1  }
0xa1: {  	s23 =	simm.s32 $0x1B8B  }
0xa2: {  	_ =	swait.ge [sflag:s23], $0x1  }
0xa3: {  	[sflag:s23] =	ssyncset.done $0x0  }
0xa4: {  	s25 =	simm.s32 $0x1B8E;
	s24 =	sld [smem:$0x3FFE];
	[sflag:s23] =	ssyncadd.s32 $0xFFFFFFFF  }
0xa5: {  	s26 =	simm.s32 $execute0_lowered;
	[smem:$0x3FD2] =	sst s25  }
0xa6: {  	s4 =	sshll.u32 s26, $0x1;
	_ =	strace $0x80000049;
	[dreg:$0x1] =	wrdreg $0xFFFFFFFF  }
0xa7: {  	s28 =	simm.s32 $_size_execute0_lowered;
	s2 =	sadd.s32 s2, s4;
	[dreg:$0x0] =	wrdreg $0x0  }
0xa8: {  	s4 =	sshll.u32 s28, $0x1;
	[dreg:$0x2] =	wrdreg s2  }
0xa9: {  	[dreg:$0x3] =	wrdreg s4  }
0xaa: {  	[dreg:$0x4] =	wrdreg $0xC0  }
0xab: {  	_ =	task [dreg:s6], $0x5FFFF  }
0xac: {  	[dreg:$0x1] =	wrdreg $0xFFFFFFFF  }
0xad: {  	[dreg:$0x0] =	wrdreg $0x60  }
0xae: {  	[dreg:$0x2] =	wrdreg s24  }
0xaf: {  	[dreg:$0x3] =	wrdreg $0x9  }
0xb0: {  	_ =	task.clear_ibuf [dreg:s6], $0x4FFFF;
	_ =	strace $0x90000049  }
0xb1: {  	s29 =	simm.s32 $0x9;
	_ =	strace $0x8000004B  }
0xb2: {  	_ =	swait.ge [sflag:s29], $0x1  }
0xb3: {  	[sflag:s29] =	ssyncadd.s32 $0xFFFFFFFF  }
0xb4: {  	_ =	strace $0x9000004B  }
0xb5: {  	_ =	sfence  }
0xb6: {  	s30 =	sld [smem:$0x0];
	_ =	sdelay $0x2  }
0xb7: {  	s31 =	sshll.u32 s1, $0xD;
	s1 =	sshrl.u32 s1, $0x2  }
0xb8: {  	s3 =	sand.u32 $0x4000, s31;
	s1 =	sadd.s32 s1, s30  }
0xb9: {  	s0 =	sor.u32 s3, s0;
	s1 =	sshll.u32 s1, $0x11  }
0xba: {  	s0 =	sor.u32 s1, s0  }
0xbb: {  	s0 =	sadd.s32 $0x8F2B, s0  }
0xbc: {  	[sflag:s0] =	ssyncadd.remote.s32 $0x1  }
0xbd: {  	_ =	sfence.sel $0xFFFF  }
0xbe: {  	[dreg:$0x0] =	wrdreg $0xFFFFFFFF;
	(pc) =	sbr.abs _section_cstart, $3  }
0xbf: {  	[dreg:$0x1] =	wrdreg $0xFFFFFFFF  }
0xc0: {  	_ =	task.clear_ibuf [dreg:s6], $0x2FFFF;
	_ =	strace $0x9FFFFFFF  }
0xc1: {  	(tm) =	ssettm $0x7FFFFFFF  }
tec
execute0_lowered:
.L_overlay_start_1:
0x0: {  	(tag) =	ssettag $0x1  }
0x1: {  	s5 =	rddreg [dreg:$0x0]  }
0x2: {  	s1 =	srdreg.scid;
	s0 =	rddreg [dreg:$0x1]  }
0x3: {  	s2 =	simm.s32 $0x0;
	s10 =	simm.s32 $0x3070;
	s3 =	sand.u32 $0x1, s1  }
0x4: {  	s11 =	simm.s32 $0x0;
	s1 =	stileid.u32;
	s4 =	sshll.u32 s3, $0x4  }
0x5: {  	[smem:$0x7FF] =	sst s2;
	s8 =	ssub.s32 $0x2, s3;
	s6 =	sor.u32 s1, s4  }
0x6: {  	_ =	strace $0x8000004A;
	s9 =	sshrl.u32 s8, $0x1;
	s7 =	smul.u32 $0x500, s6  }
0x7: {  	s3 =	sadd.s32 $0x1A00, s5;
	s4 =	sadd.s32 $0x4D200, s5;
	s8 =	ssub.s32 s8, s9  }
0x8: {  	s9 =	simm.s32 $0x2710;
	s7 =	sadd.s32 s7, s5;
	s5 =	smul.u32 $0x19, s6  }
0x9: {  	v0 =	vimm.f32 $0.0e+00;
	s6 =	sadd.s32 $0x2000, s7;
	s7 =	smax.u32 s8, $0x1;
	s8 =	simm.s32 $0x1  }
.LBB2_1:
0xa: {  	[tilespmem:s2], [sflag:$0x1] =	stream.linear.gather [hbm4b:s3+s2], $0x2710, $0x38;
	[tilespmem:$0x5870] =	vst v63  }
0xb: {  	_ =	swait.ge [sflag:s8], $0x2710  }
0xc: {  	[sflag:s8] =	ssyncset.done $0x0  }
0xd: {  	s12 =	simm.s32 $0x40;
	s13 =	simm.s32 $0x0;
	[sflag:s8] =	ssyncadd.s32 $0xFFFFD8F0  }
.LBB2_2:
0xe: {  	p0 =	sne.s32 s12, $0x9FC0;
	[tilespmem:s13+$0x3070] =	vst v0;
	s13 =	smov.u32 s12;
	s12 =	sadd.s32 $0x40, s12  }
.Ltmp0:
0xf: {  	(pc) =	sbr.rel @p0 .LBB2_2-.Ltmp0, $2  }
0x10: {  	_ =	sdelay $0x2  }
0x11: {  	s13 =	sshra.s32 s13, $0x2  }
0x12: {  	[tilespmem:s13+$0x3070] =	vst v0;
	s12 =	simm.s32 $0x0;
	s13 =	simm.s32 $0x0  }
.LBB2_4:
0x13: {  	s14 =	sadd.s32 s5, s13  }
0x14: {  	s14 =	smul.u32 $0x12C, s14;
	_ =	sdelay $0x1  }
0x15: {  	s14 =	sadd.s32 s4, s14  }
0x16: {  	[tilespmem:s9], [sflag:$0x1] =	stream.linear.gather [hbm4b:s14+s12], $0x960, $0x38;
	[tilespmem:$0x5870] =	vst v63  }
0x17: {  	_ =	swait.ge [sflag:s8], $0x960  }
0x18: {  	[sflag:s8] =	ssyncset.done $0x0  }
0x19: {  	s15 =	simm.s32 $0x0;
	s14 =	simm.s32 $0x40;
	[sflag:s8] =	ssyncadd.s32 $0xFFFFF6A0  }
.LBB2_5:
0x1a: {  	p0 =	sne.s32 s14, $0xC40;
	v1 =	vld [tilespmem:s15+$0x2A30];
	_ =	sdelay $0x6  }
0x1b: {  	v2 =	vld [tilespmem:s15+$0x2710]  }
0x1c: {  	v1 =	vld.idx.msk [tilespmem:v1+s2+$0x0], $0xffff  }
0x1d: {  	v3 =	vld [tilespmem:s15+$0x2D50];
	_ =	sdelay $0x2  }
.Ltmp1:
0x1e: {  	(pc) =	sbr.rel @p0 .LBB2_5-.Ltmp1, $3  }
0x1f: {  	_ = 	snop  }
0x20: {  	v1 =	vmul.f32 v1, v3;
	_ =	sdelay $0x1  }
0x21: {  	s15 =	sshra.s32 s14, $0x2;
	s14 =	sadd.s32 $0x40, s14;
	[tilespmem:v2+s10+$0x0] =	vst.idx.add.f32.msk $0xffff, v1  }
0x22: {  	v1 =	vld [tilespmem:s15+$0x2A30];
	_ =	sdelay $0x5  }
0x23: {  	v2 =	vld [tilespmem:s15+$0x2710]  }
0x24: {  	v3 =	vld [tilespmem:s15+$0x2D50]  }
0x25: {  	v1 =	vld.idx.msk [tilespmem:v1+s2+$0x0], $0xffff  }
0x26: {  	s13 =	sadd.s32 $0x1, s13  }
0x27: {  	p0 =	sne.s32 s13, $0x19  }
.Ltmp2:
0x28: {  	_ = 	snop;
	(pc) =	sbr.rel @p0 .LBB2_4-.Ltmp2, $3  }
0x29: {  	_ = 	snop  }
0x2a: {  	v1 =	vmul.f32 v1, v3;
	_ =	sdelay $0x1  }
0x2b: {  	[tilespmem:v2+s10+$0x0] =	vst.idx.add.f32.msk $0xffff, v1  }
0x2c: {  	s11 =	sadd.s32 $0x1, s11  }
0x2d: {  	p0 =	sne.s32 s11, s7  }
.Ltmp3:
0x2e: {  	_ = 	snop;
	(pc) =	sbr.rel @p0 .LBB2_1-.Ltmp3, $4  }
0x2f: {  	[hbm4b:s6+s2] =	stream.linear.scatter [tilespmem:s10], [sflag:$0x1], $0x2800, $0x38;
	[tilespmem:$0x5870] =	vst v63  }
0x30: {  	_ =	swait.ge [sflag:s8], $0x2800  }
0x31: {  	[sflag:s8] =	ssyncset.done $0x0  }
0x32: {  	[sflag:s8] =	ssyncadd.s32 $0xFFFFD800  }
0x33: {  	_ =	sfence.sel $0x180000  }
0x34: {  	[bflag:$0x0] =	sbarrier.arrive $0xFFFF  }
0x35: {  	p0 =	sne.s32 s1, $0x0;
	_ =	strace $0x9000004A  }
0x36: {  	s0 =	sadd.s32 @!p0 $0x100000, s0;
	[bflag:$0x2] =	sbarrier.arrive $0xFFFF  }
0x37: {  	[sflag:s0] =	ssyncadd.tile.s32 @!p0 $0x1;
	_ =	shalt  }
.Lfunc_end2:
_tile_overlayer_lowered:
.L_overlay_start_2:
0x38: {  	(tag) =	ssettag $0x2  }
0x39: {  	s0 =	rddreg [dreg:$0x0];
	s2 =	stileid.u32  }
0x3a: {  	s1 =	rddreg [dreg:$0x1];
	p0 =	sne.s32 s2, $0x0  }
0x3b: {  	s3 =	rddreg [dreg:$0x2];
	[bflag:$0x3] =	sbarrier.arrive $0xFFFF;
	s2 =	simm.s32 @!p0 $0x1C01  }
0x3c: {  	[timem:s3], [sflag:s2] =	dma.local @!p0 [hbm:s0], s1  }
0x3d: {  	s0 =	simm.s32 @!p0 $0x1  }
0x3e: {  	_ =	swait.ge @!p0 [sflag:s0], s1  }
0x3f: {  	s1 =	ssub.s32 @!p0 $0x0, s1;
	[sflag:s0] =	ssyncset.done @!p0 $0x0  }
0x40: {  	[sflag:s0] =	ssyncadd.s32 @!p0 s1  }
0x41: {  	[bflag:$0x3] =	sbarrier.arrive $0xFFFF  }
0x42: {  	_ =	shalt  }

</sc_bundles>
